<compile_context>
chip_gen: v7x
topology: tpu7x:2x2x1
jax: 0.10.2.dev20260603
libtpu: 0.0.44.dev20260713+nightly
codegen_flags: <defaults>
</compile_context>

<pallas_src>
import functools

import jax
import jax.numpy as jnp
from jax import lax
from jax.experimental import pallas as pl
from jax.experimental.pallas import tpu as pltpu
from jax.experimental.pallas import tpu_sc as plsc

B = 16384
D = 64
NC = 2
NS = 16
NW = NC * NS
BPW = B // NW
CHUNK = 128
NCHUNK = BPW // CHUNK

_MESH = dict(
    mesh=plsc.VectorSubcoreMesh(core_axis_name="c", subcore_axis_name="s"),
    compiler_params=pltpu.CompilerParams(
        needs_layout_passes=False, use_tc_tiling_on_sc=False),
)


def _deinterleave(x_hbm, x_v, idx, base, col):
    pltpu.sync_copy(x_hbm.at[pl.ds(base * 2, BPW * 2)], x_v)
    iota16 = lax.iota(jnp.int32, 16)
    for g in range(BPW // 16):
        pos16 = (iota16 + (g * 16)) * 2 + col
        c = (g * 16) // CHUNK
        off = (g * 16) % CHUNK
        idx[c, pl.ds(off, 16)] = plsc.load_gather(x_v, [pos16])


def _gather_user(x_hbm, user_hbm, u_hbm, x_v, idx_u, rows_u, sem):
    wid = lax.axis_index("s") * NC + lax.axis_index("c")
    base = wid * BPW
    _deinterleave(x_hbm, x_v, idx_u, base, 0)
    copies = [
        pltpu.async_copy(user_hbm.at[idx_u.at[c]],
                         rows_u.at[pl.ds(c * CHUNK, CHUNK), :], sem)
        for c in range(NCHUNK)
    ]
    for cp in copies:
        cp.wait()
    pltpu.sync_copy(rows_u, u_hbm.at[pl.ds(base, BPW), :])


def _gather_item_dot(x_hbm, item_hbm, u_rows_hbm, out_hbm,
                     x_v, idx_i, rows_u, rows_i, out_v, sem, sem_u):
    wid = lax.axis_index("s") * NC + lax.axis_index("c")
    base = wid * BPW
    cp_u = pltpu.async_copy(u_rows_hbm.at[pl.ds(base, BPW), :], rows_u, sem_u)
    _deinterleave(x_hbm, x_v, idx_i, base, 1)
    copies = [
        pltpu.async_copy(item_hbm.at[idx_i.at[c]],
                         rows_i.at[pl.ds(c * CHUNK, CHUNK), :], sem)
        for c in range(NCHUNK)
    ]
    cp_u.wait()
    for cp in copies:
        cp.wait()

    iota16 = lax.iota(jnp.int32, 16)
    lane15 = iota16 == 15

    def body(r, carry):
        acc = rows_u[r, pl.ds(0, 16)] * rows_i[r, pl.ds(0, 16)]
        for k in range(1, D // 16):
            acc = acc + rows_u[r, pl.ds(k * 16, 16)] * rows_i[r, pl.ds(k * 16, 16)]
        cs = plsc.cumsum(acc)
        plsc.store_scatter(out_v, [jnp.full((16,), r, jnp.int32)], cs,
                           mask=lane15)
        return carry
    lax.fori_loop(0, BPW, body, 0)

    pltpu.sync_copy(out_v, out_hbm.at[pl.ds(base, BPW)])


@jax.jit
def kernel(x, user_emb, item_emb):
    xf = x.astype(jnp.int32).reshape(-1)
    ka = functools.partial(
        pl.kernel,
        out_type=jax.ShapeDtypeStruct((B, D), jnp.float32),
        scratch_types=[
            pltpu.VMEM((BPW * 2,), jnp.int32),
            pltpu.VMEM((NCHUNK, CHUNK), jnp.int32),
            pltpu.VMEM((BPW, D), jnp.float32),
            pltpu.SemaphoreType.DMA,
        ],
        **_MESH,
    )(_gather_user)
    u_rows = ka(xf, user_emb)
    kb = functools.partial(
        pl.kernel,
        out_type=jax.ShapeDtypeStruct((B,), jnp.float32),
        scratch_types=[
            pltpu.VMEM((BPW * 2,), jnp.int32),
            pltpu.VMEM((NCHUNK, CHUNK), jnp.int32),
            pltpu.VMEM((BPW, D), jnp.float32),
            pltpu.VMEM((BPW, D), jnp.float32),
            pltpu.VMEM((BPW,), jnp.float32),
            pltpu.SemaphoreType.DMA,
            pltpu.SemaphoreType.DMA,
        ],
        **_MESH,
    )(_gather_item_dot)
    return kb(xf, item_emb, u_rows)

# --- scband reference (transcript-rebuilt; emitter-appended) ---
"""Pipeline reference for scband-cfmodule-25907242729508 (READ-ONLY COPY).

The authoritative reference and input builder live on the scoring server;
editing this copy changes nothing except your own understanding.
"""

import jax, jax.numpy as jnp
import numpy as np

NUM_USER = 100000
NUM_ITEM = 100000
DIM = 64
BATCH = 16384

def setup_inputs(seed: int = 0) -> dict:
    key = jax.random.key(seed)
    k1, k2, k3 = jax.random.split(key, 3)
    x = jax.random.randint(k1, (BATCH, 2), 0, NUM_USER, dtype=jnp.int64) if jax.config.jax_enable_x64 else jax.random.randint(k1, (BATCH, 2), 0, NUM_USER, dtype=jnp.int32)
    user_emb = jax.random.normal(k2, (NUM_USER, DIM), dtype=jnp.float32)
    item_emb = jax.random.normal(k3, (NUM_ITEM, DIM), dtype=jnp.float32)
    return {"x": x, "user_emb": user_emb, "item_emb": item_emb}

def reference(x, user_emb, item_emb):
    user_x = x[:, 0].astype(jnp.int32)
    item_x = x[:, 1].astype(jnp.int32)
    u = jnp.take(user_emb, user_x, axis=0)
    v = jnp.take(item_emb, item_x, axis=0)
    out = jnp.einsum('ij,ij->i', u, v)
    return out

if __name__ == "__main__":
    import jax
    _d = setup_inputs()
    print(jax.jit(kernel)(*tuple(_d.values())))

</pallas_src>

<mosaic_0001>
#map = affine_map<(d0, d1) -> (0)>
#map1 = affine_map<(d0, d1) -> (0, 0)>
module attributes {stable_mosaic.version = 14 : i64} {
  func.func @_gather_user(%arg0: i32, %arg1: i32, %arg2: memref<32768xi32, #tpu.memory_space<hbm>>, %arg3: memref<100000x64xf32, #tpu.memory_space<hbm>>, %arg4: memref<16384x64xf32, #tpu.memory_space<hbm>>, %arg5: memref<1024xi32, #tpu.memory_space<vmem>>, %arg6: memref<4x128xi32, #tpu.memory_space<vmem>>, %arg7: memref<512x64xf32, #tpu.memory_space<vmem>>, %arg8: memref<!tpu.dma_semaphore, #tpu.memory_space<semaphore_mem>>) attributes {dimension_semantics = [#tpu.dimension_semantics<core_parallel>, #tpu.dimension_semantics<subcore_parallel>], iteration_bounds = array<i64: 2, 16>, scalar_prefetch = 0 : i64, scratch_operands = 4 : i64, tpu.core_type = #tpu.core_type<sc_vector_subcore>, window_params = [{transform_indices = #map}, {transform_indices = #map1}, {transform_indices = #map1}]} {
    %mul3A = arith.constant 2 : i32
    %mul3A_0 = arith.muli %arg1, %mul3A : i32
    %add3A = arith.addi %mul3A_0, %arg0 : i32
    %mul3A_1 = arith.constant 512 : i32
    %mul3A_2 = arith.muli %add3A, %mul3A_1 : i32
    %mul3A_3 = arith.constant 2 : i32
    %mul3A_4 = arith.muli %mul3A_2, %mul3A_3 : i32
    "tpu.region"() ({
      %run_scoped3A = tpu.sem_alloc : memref<!tpu.dma_semaphore, #tpu.memory_space<semaphore_mem>>
      %dma_start3A_529 = tpu.memref_slice %arg2[%mul3A_4] : memref<32768xi32, #tpu.memory_space<hbm>> -> memref<1024xi32, #tpu.memory_space<hbm>>
      %dma_start3A_530 = tpu.memref_slice %arg2[%mul3A_4] : memref<32768xi32, #tpu.memory_space<hbm>> -> memref<1024xi32, #tpu.memory_space<hbm>>
      tpu.enqueue_dma source(%dma_start3A_530 : memref<1024xi32, #tpu.memory_space<hbm>>) target(%arg5 : memref<1024xi32, #tpu.memory_space<vmem>>) target_semaphore(%run_scoped3A : memref<!tpu.dma_semaphore, #tpu.memory_space<semaphore_mem>>)
      %dma_wait3A_531 = tpu.memref_slice %arg2[%mul3A_4] : memref<32768xi32, #tpu.memory_space<hbm>> -> memref<1024xi32, #tpu.memory_space<hbm>>
      %dma_wait3A_532 = tpu.memref_slice %arg2[%mul3A_4] : memref<32768xi32, #tpu.memory_space<hbm>> -> memref<1024xi32, #tpu.memory_space<hbm>>
      tpu.wait_dma2 semaphore(%run_scoped3A : memref<!tpu.dma_semaphore, #tpu.memory_space<semaphore_mem>>) src(%dma_wait3A_532 : memref<1024xi32, #tpu.memory_space<hbm>>) dst(%arg5 : memref<1024xi32, #tpu.memory_space<vmem>>)
      tpu.yield
    }) : () -> ()
    %iota3A = tpu.iota {dimensions = array<i32: 0>} : vector<16xi32>
    %add3A_5 = arith.constant 0 : i32
    %add3A_6 = vector.broadcast %add3A_5 : i32 to vector<16xi32>
    %add3A_7 = arith.addi %iota3A, %add3A_6 : vector<16xi32>
    %mul3A_8 = arith.constant 2 : i32
    %mul3A_9 = vector.broadcast %mul3A_8 : i32 to vector<16xi32>
    %mul3A_10 = arith.muli %add3A_7, %mul3A_9 : vector<16xi32>
    %add3A_11 = arith.constant 0 : i32
    %add3A_12 = vector.broadcast %add3A_11 : i32 to vector<16xi32>
    %add3A_13 = arith.addi %mul3A_10, %add3A_12 : vector<16xi32>
    %gather3A = tpu.vector_load_idx %arg5[%add3A_13] : memref<1024xi32, #tpu.memory_space<vmem>>[vector<16xi32>], vector<16xi32>,
    %swap3A = arith.constant 0 : i32
    %swap3A_14 = arith.index_cast %swap3A : i32 to index
    %swap3A_15 = arith.constant 0 : index
    %swap3A_16 = tpu.vector_load %arg6[%swap3A_14, %swap3A_15] {strides = array<i32>} : memref<4x128xi32, #tpu.memory_space<vmem>>, vector<16xi32>,
    tpu.vector_store %arg6[%swap3A_14, %swap3A_15], %gather3A {strides = array<i32>} : memref<4x128xi32, #tpu.memory_space<vmem>>, vector<16xi32>,
    %add3A_17 = arith.constant 16 : i32
    %add3A_18 = vector.broadcast %add3A_17 : i32 to vector<16xi32>
    %add3A_19 = arith.addi %iota3A, %add3A_18 : vector<16xi32>
    %mul3A_20 = arith.constant 2 : i32
    %mul3A_21 = vector.broadcast %mul3A_20 : i32 to vector<16xi32>
    %mul3A_22 = arith.muli %add3A_19, %mul3A_21 : vector<16xi32>
    %add3A_23 = arith.constant 0 : i32
    %add3A_24 = vector.broadcast %add3A_23 : i32 to vector<16xi32>
    %add3A_25 = arith.addi %mul3A_22, %add3A_24 : vector<16xi32>
    %gather3A_26 = tpu.vector_load_idx %arg5[%add3A_25] : memref<1024xi32, #tpu.memory_space<vmem>>[vector<16xi32>], vector<16xi32>,
    %swap3A_27 = arith.constant 0 : i32
    %swap3A_28 = arith.index_cast %swap3A_27 : i32 to index
    %swap3A_29 = arith.constant 16 : index
    %swap3A_30 = tpu.vector_load %arg6[%swap3A_28, %swap3A_29] {strides = array<i32>} : memref<4x128xi32, #tpu.memory_space<vmem>>, vector<16xi32>,
    tpu.vector_store %arg6[%swap3A_28, %swap3A_29], %gather3A_26 {strides = array<i32>} : memref<4x128xi32, #tpu.memory_space<vmem>>, vector<16xi32>,
    %add3A_31 = arith.constant 32 : i32
    %add3A_32 = vector.broadcast %add3A_31 : i32 to vector<16xi32>
    %add3A_33 = arith.addi %iota3A, %add3A_32 : vector<16xi32>
    %mul3A_34 = arith.constant 2 : i32
    %mul3A_35 = vector.broadcast %mul3A_34 : i32 to vector<16xi32>
    %mul3A_36 = arith.muli %add3A_33, %mul3A_35 : vector<16xi32>
    %add3A_37 = arith.constant 0 : i32
    %add3A_38 = vector.broadcast %add3A_37 : i32 to vector<16xi32>
    %add3A_39 = arith.addi %mul3A_36, %add3A_38 : vector<16xi32>
    %gather3A_40 = tpu.vector_load_idx %arg5[%add3A_39] : memref<1024xi32, #tpu.memory_space<vmem>>[vector<16xi32>], vector<16xi32>,
    %swap3A_41 = arith.constant 0 : i32
    %swap3A_42 = arith.index_cast %swap3A_41 : i32 to index
    %swap3A_43 = arith.constant 32 : index
    %swap3A_44 = tpu.vector_load %arg6[%swap3A_42, %swap3A_43] {strides = array<i32>} : memref<4x128xi32, #tpu.memory_space<vmem>>, vector<16xi32>,
    tpu.vector_store %arg6[%swap3A_42, %swap3A_43], %gather3A_40 {strides = array<i32>} : memref<4x128xi32, #tpu.memory_space<vmem>>, vector<16xi32>,
    %add3A_45 = arith.constant 48 : i32
    %add3A_46 = vector.broadcast %add3A_45 : i32 to vector<16xi32>
    %add3A_47 = arith.addi %iota3A, %add3A_46 : vector<16xi32>
    %mul3A_48 = arith.constant 2 : i32
    %mul3A_49 = vector.broadcast %mul3A_48 : i32 to vector<16xi32>
    %mul3A_50 = arith.muli %add3A_47, %mul3A_49 : vector<16xi32>
    %add3A_51 = arith.constant 0 : i32
    %add3A_52 = vector.broadcast %add3A_51 : i32 to vector<16xi32>
    %add3A_53 = arith.addi %mul3A_50, %add3A_52 : vector<16xi32>
    %gather3A_54 = tpu.vector_load_idx %arg5[%add3A_53] : memref<1024xi32, #tpu.memory_space<vmem>>[vector<16xi32>], vector<16xi32>,
    %swap3A_55 = arith.constant 0 : i32
    %swap3A_56 = arith.index_cast %swap3A_55 : i32 to index
    %swap3A_57 = arith.constant 48 : index
    %swap3A_58 = tpu.vector_load %arg6[%swap3A_56, %swap3A_57] {strides = array<i32>} : memref<4x128xi32, #tpu.memory_space<vmem>>, vector<16xi32>,
    tpu.vector_store %arg6[%swap3A_56, %swap3A_57], %gather3A_54 {strides = array<i32>} : memref<4x128xi32, #tpu.memory_space<vmem>>, vector<16xi32>,
    %add3A_59 = arith.constant 64 : i32
    %add3A_60 = vector.broadcast %add3A_59 : i32 to vector<16xi32>
    %add3A_61 = arith.addi %iota3A, %add3A_60 : vector<16xi32>
    %mul3A_62 = arith.constant 2 : i32
    %mul3A_63 = vector.broadcast %mul3A_62 : i32 to vector<16xi32>
    %mul3A_64 = arith.muli %add3A_61, %mul3A_63 : vector<16xi32>
    %add3A_65 = arith.constant 0 : i32
    %add3A_66 = vector.broadcast %add3A_65 : i32 to vector<16xi32>
    %add3A_67 = arith.addi %mul3A_64, %add3A_66 : vector<16xi32>
    %gather3A_68 = tpu.vector_load_idx %arg5[%add3A_67] : memref<1024xi32, #tpu.memory_space<vmem>>[vector<16xi32>], vector<16xi32>,
    %swap3A_69 = arith.constant 0 : i32
    %swap3A_70 = arith.index_cast %swap3A_69 : i32 to index
    %swap3A_71 = arith.constant 64 : index
    %swap3A_72 = tpu.vector_load %arg6[%swap3A_70, %swap3A_71] {strides = array<i32>} : memref<4x128xi32, #tpu.memory_space<vmem>>, vector<16xi32>,
    tpu.vector_store %arg6[%swap3A_70, %swap3A_71], %gather3A_68 {strides = array<i32>} : memref<4x128xi32, #tpu.memory_space<vmem>>, vector<16xi32>,
    %add3A_73 = arith.constant 80 : i32
    %add3A_74 = vector.broadcast %add3A_73 : i32 to vector<16xi32>
    %add3A_75 = arith.addi %iota3A, %add3A_74 : vector<16xi32>
    %mul3A_76 = arith.constant 2 : i32
    %mul3A_77 = vector.broadcast %mul3A_76 : i32 to vector<16xi32>
    %mul3A_78 = arith.muli %add3A_75, %mul3A_77 : vector<16xi32>
    %add3A_79 = arith.constant 0 : i32
    %add3A_80 = vector.broadcast %add3A_79 : i32 to vector<16xi32>
    %add3A_81 = arith.addi %mul3A_78, %add3A_80 : vector<16xi32>
    %gather3A_82 = tpu.vector_load_idx %arg5[%add3A_81] : memref<1024xi32, #tpu.memory_space<vmem>>[vector<16xi32>], vector<16xi32>,
    %swap3A_83 = arith.constant 0 : i32
    %swap3A_84 = arith.index_cast %swap3A_83 : i32 to index
    %swap3A_85 = arith.constant 80 : index
    %swap3A_86 = tpu.vector_load %arg6[%swap3A_84, %swap3A_85] {strides = array<i32>} : memref<4x128xi32, #tpu.memory_space<vmem>>, vector<16xi32>,
    tpu.vector_store %arg6[%swap3A_84, %swap3A_85], %gather3A_82 {strides = array<i32>} : memref<4x128xi32, #tpu.memory_space<vmem>>, vector<16xi32>,
    %add3A_87 = arith.constant 96 : i32
    %add3A_88 = vector.broadcast %add3A_87 : i32 to vector<16xi32>
    %add3A_89 = arith.addi %iota3A, %add3A_88 : vector<16xi32>
    %mul3A_90 = arith.constant 2 : i32
    %mul3A_91 = vector.broadcast %mul3A_90 : i32 to vector<16xi32>
    %mul3A_92 = arith.muli %add3A_89, %mul3A_91 : vector<16xi32>
    %add3A_93 = arith.constant 0 : i32
    %add3A_94 = vector.broadcast %add3A_93 : i32 to vector<16xi32>
    %add3A_95 = arith.addi %mul3A_92, %add3A_94 : vector<16xi32>
    %gather3A_96 = tpu.vector_load_idx %arg5[%add3A_95] : memref<1024xi32, #tpu.memory_space<vmem>>[vector<16xi32>], vector<16xi32>,
    %swap3A_97 = arith.constant 0 : i32
    %swap3A_98 = arith.index_cast %swap3A_97 : i32 to index
    %swap3A_99 = arith.constant 96 : index
    %swap3A_100 = tpu.vector_load %arg6[%swap3A_98, %swap3A_99] {strides = array<i32>} : memref<4x128xi32, #tpu.memory_space<vmem>>, vector<16xi32>,
    tpu.vector_store %arg6[%swap3A_98, %swap3A_99], %gather3A_96 {strides = array<i32>} : memref<4x128xi32, #tpu.memory_space<vmem>>, vector<16xi32>,
    %add3A_101 = arith.constant 112 : i32
    %add3A_102 = vector.broadcast %add3A_101 : i32 to vector<16xi32>
    %add3A_103 = arith.addi %iota3A, %add3A_102 : vector<16xi32>
    %mul3A_104 = arith.constant 2 : i32
    %mul3A_105 = vector.broadcast %mul3A_104 : i32 to vector<16xi32>
    %mul3A_106 = arith.muli %add3A_103, %mul3A_105 : vector<16xi32>
    %add3A_107 = arith.constant 0 : i32
    %add3A_108 = vector.broadcast %add3A_107 : i32 to vector<16xi32>
    %add3A_109 = arith.addi %mul3A_106, %add3A_108 : vector<16xi32>
    %gather3A_110 = tpu.vector_load_idx %arg5[%add3A_109] : memref<1024xi32, #tpu.memory_space<vmem>>[vector<16xi32>], vector<16xi32>,
    %swap3A_111 = arith.constant 0 : i32
    %swap3A_112 = arith.index_cast %swap3A_111 : i32 to index
    %swap3A_113 = arith.constant 112 : index
    %swap3A_114 = tpu.vector_load %arg6[%swap3A_112, %swap3A_113] {strides = array<i32>} : memref<4x128xi32, #tpu.memory_space<vmem>>, vector<16xi32>,
    tpu.vector_store %arg6[%swap3A_112, %swap3A_113], %gather3A_110 {strides = array<i32>} : memref<4x128xi32, #tpu.memory_space<vmem>>, vector<16xi32>,
    %add3A_115 = arith.constant 128 : i32
    %add3A_116 = vector.broadcast %add3A_115 : i32 to vector<16xi32>
    %add3A_117 = arith.addi %iota3A, %add3A_116 : vector<16xi32>
    %mul3A_118 = arith.constant 2 : i32
    %mul3A_119 = vector.broadcast %mul3A_118 : i32 to vector<16xi32>
    %mul3A_120 = arith.muli %add3A_117, %mul3A_119 : vector<16xi32>
    %add3A_121 = arith.constant 0 : i32
    %add3A_122 = vector.broadcast %add3A_121 : i32 to vector<16xi32>
    %add3A_123 = arith.addi %mul3A_120, %add3A_122 : vector<16xi32>
    %gather3A_124 = tpu.vector_load_idx %arg5[%add3A_123] : memref<1024xi32, #tpu.memory_space<vmem>>[vector<16xi32>], vector<16xi32>,
    %swap3A_125 = arith.constant 1 : i32
    %swap3A_126 = arith.index_cast %swap3A_125 : i32 to index
    %swap3A_127 = arith.constant 0 : index
    %swap3A_128 = tpu.vector_load %arg6[%swap3A_126, %swap3A_127] {strides = array<i32>} : memref<4x128xi32, #tpu.memory_space<vmem>>, vector<16xi32>,
    tpu.vector_store %arg6[%swap3A_126, %swap3A_127], %gather3A_124 {strides = array<i32>} : memref<4x128xi32, #tpu.memory_space<vmem>>, vector<16xi32>,
    %add3A_129 = arith.constant 144 : i32
    %add3A_130 = vector.broadcast %add3A_129 : i32 to vector<16xi32>
    %add3A_131 = arith.addi %iota3A, %add3A_130 : vector<16xi32>
    %mul3A_132 = arith.constant 2 : i32
    %mul3A_133 = vector.broadcast %mul3A_132 : i32 to vector<16xi32>
    %mul3A_134 = arith.muli %add3A_131, %mul3A_133 : vector<16xi32>
    %add3A_135 = arith.constant 0 : i32
    %add3A_136 = vector.broadcast %add3A_135 : i32 to vector<16xi32>
    %add3A_137 = arith.addi %mul3A_134, %add3A_136 : vector<16xi32>
    %gather3A_138 = tpu.vector_load_idx %arg5[%add3A_137] : memref<1024xi32, #tpu.memory_space<vmem>>[vector<16xi32>], vector<16xi32>,
    %swap3A_139 = arith.constant 1 : i32
    %swap3A_140 = arith.index_cast %swap3A_139 : i32 to index
    %swap3A_141 = arith.constant 16 : index
    %swap3A_142 = tpu.vector_load %arg6[%swap3A_140, %swap3A_141] {strides = array<i32>} : memref<4x128xi32, #tpu.memory_space<vmem>>, vector<16xi32>,
    tpu.vector_store %arg6[%swap3A_140, %swap3A_141], %gather3A_138 {strides = array<i32>} : memref<4x128xi32, #tpu.memory_space<vmem>>, vector<16xi32>,
    %add3A_143 = arith.constant 160 : i32
    %add3A_144 = vector.broadcast %add3A_143 : i32 to vector<16xi32>
    %add3A_145 = arith.addi %iota3A, %add3A_144 : vector<16xi32>
    %mul3A_146 = arith.constant 2 : i32
    %mul3A_147 = vector.broadcast %mul3A_146 : i32 to vector<16xi32>
    %mul3A_148 = arith.muli %add3A_145, %mul3A_147 : vector<16xi32>
    %add3A_149 = arith.constant 0 : i32
    %add3A_150 = vector.broadcast %add3A_149 : i32 to vector<16xi32>
    %add3A_151 = arith.addi %mul3A_148, %add3A_150 : vector<16xi32>
    %gather3A_152 = tpu.vector_load_idx %arg5[%add3A_151] : memref<1024xi32, #tpu.memory_space<vmem>>[vector<16xi32>], vector<16xi32>,
    %swap3A_153 = arith.constant 1 : i32
    %swap3A_154 = arith.index_cast %swap3A_153 : i32 to index
    %swap3A_155 = arith.constant 32 : index
    %swap3A_156 = tpu.vector_load %arg6[%swap3A_154, %swap3A_155] {strides = array<i32>} : memref<4x128xi32, #tpu.memory_space<vmem>>, vector<16xi32>,
    tpu.vector_store %arg6[%swap3A_154, %swap3A_155], %gather3A_152 {strides = array<i32>} : memref<4x128xi32, #tpu.memory_space<vmem>>, vector<16xi32>,
    %add3A_157 = arith.constant 176 : i32
    %add3A_158 = vector.broadcast %add3A_157 : i32 to vector<16xi32>
    %add3A_159 = arith.addi %iota3A, %add3A_158 : vector<16xi32>
    %mul3A_160 = arith.constant 2 : i32
    %mul3A_161 = vector.broadcast %mul3A_160 : i32 to vector<16xi32>
    %mul3A_162 = arith.muli %add3A_159, %mul3A_161 : vector<16xi32>
    %add3A_163 = arith.constant 0 : i32
    %add3A_164 = vector.broadcast %add3A_163 : i32 to vector<16xi32>
    %add3A_165 = arith.addi %mul3A_162, %add3A_164 : vector<16xi32>
    %gather3A_166 = tpu.vector_load_idx %arg5[%add3A_165] : memref<1024xi32, #tpu.memory_space<vmem>>[vector<16xi32>], vector<16xi32>,
    %swap3A_167 = arith.constant 1 : i32
    %swap3A_168 = arith.index_cast %swap3A_167 : i32 to index
    %swap3A_169 = arith.constant 48 : index
    %swap3A_170 = tpu.vector_load %arg6[%swap3A_168, %swap3A_169] {strides = array<i32>} : memref<4x128xi32, #tpu.memory_space<vmem>>, vector<16xi32>,
    tpu.vector_store %arg6[%swap3A_168, %swap3A_169], %gather3A_166 {strides = array<i32>} : memref<4x128xi32, #tpu.memory_space<vmem>>, vector<16xi32>,
    %add3A_171 = arith.constant 192 : i32
    %add3A_172 = vector.broadcast %add3A_171 : i32 to vector<16xi32>
    %add3A_173 = arith.addi %iota3A, %add3A_172 : vector<16xi32>
    %mul3A_174 = arith.constant 2 : i32
    %mul3A_175 = vector.broadcast %mul3A_174 : i32 to vector<16xi32>
    %mul3A_176 = arith.muli %add3A_173, %mul3A_175 : vector<16xi32>
    %add3A_177 = arith.constant 0 : i32
    %add3A_178 = vector.broadcast %add3A_177 : i32 to vector<16xi32>
    %add3A_179 = arith.addi %mul3A_176, %add3A_178 : vector<16xi32>
    %gather3A_180 = tpu.vector_load_idx %arg5[%add3A_179] : memref<1024xi32, #tpu.memory_space<vmem>>[vector<16xi32>], vector<16xi32>,
    %swap3A_181 = arith.constant 1 : i32
    %swap3A_182 = arith.index_cast %swap3A_181 : i32 to index
    %swap3A_183 = arith.constant 64 : index
    %swap3A_184 = tpu.vector_load %arg6[%swap3A_182, %swap3A_183] {strides = array<i32>} : memref<4x128xi32, #tpu.memory_space<vmem>>, vector<16xi32>,
    tpu.vector_store %arg6[%swap3A_182, %swap3A_183], %gather3A_180 {strides = array<i32>} : memref<4x128xi32, #tpu.memory_space<vmem>>, vector<16xi32>,
    %add3A_185 = arith.constant 208 : i32
    %add3A_186 = vector.broadcast %add3A_185 : i32 to vector<16xi32>
    %add3A_187 = arith.addi %iota3A, %add3A_186 : vector<16xi32>
    %mul3A_188 = arith.constant 2 : i32
    %mul3A_189 = vector.broadcast %mul3A_188 : i32 to vector<16xi32>
    %mul3A_190 = arith.muli %add3A_187, %mul3A_189 : vector<16xi32>
    %add3A_191 = arith.constant 0 : i32
    %add3A_192 = vector.broadcast %add3A_191 : i32 to vector<16xi32>
    %add3A_193 = arith.addi %mul3A_190, %add3A_192 : vector<16xi32>
    %gather3A_194 = tpu.vector_load_idx %arg5[%add3A_193] : memref<1024xi32, #tpu.memory_space<vmem>>[vector<16xi32>], vector<16xi32>,
    %swap3A_195 = arith.constant 1 : i32
    %swap3A_196 = arith.index_cast %swap3A_195 : i32 to index
    %swap3A_197 = arith.constant 80 : index
    %swap3A_198 = tpu.vector_load %arg6[%swap3A_196, %swap3A_197] {strides = array<i32>} : memref<4x128xi32, #tpu.memory_space<vmem>>, vector<16xi32>,
    tpu.vector_store %arg6[%swap3A_196, %swap3A_197], %gather3A_194 {strides = array<i32>} : memref<4x128xi32, #tpu.memory_space<vmem>>, vector<16xi32>,
    %add3A_199 = arith.constant 224 : i32
    %add3A_200 = vector.broadcast %add3A_199 : i32 to vector<16xi32>
    %add3A_201 = arith.addi %iota3A, %add3A_200 : vector<16xi32>
    %mul3A_202 = arith.constant 2 : i32
    %mul3A_203 = vector.broadcast %mul3A_202 : i32 to vector<16xi32>
    %mul3A_204 = arith.muli %add3A_201, %mul3A_203 : vector<16xi32>
    %add3A_205 = arith.constant 0 : i32
    %add3A_206 = vector.broadcast %add3A_205 : i32 to vector<16xi32>
    %add3A_207 = arith.addi %mul3A_204, %add3A_206 : vector<16xi32>
    %gather3A_208 = tpu.vector_load_idx %arg5[%add3A_207] : memref<1024xi32, #tpu.memory_space<vmem>>[vector<16xi32>], vector<16xi32>,
    %swap3A_209 = arith.constant 1 : i32
    %swap3A_210 = arith.index_cast %swap3A_209 : i32 to index
    %swap3A_211 = arith.constant 96 : index
    %swap3A_212 = tpu.vector_load %arg6[%swap3A_210, %swap3A_211] {strides = array<i32>} : memref<4x128xi32, #tpu.memory_space<vmem>>, vector<16xi32>,
    tpu.vector_store %arg6[%swap3A_210, %swap3A_211], %gather3A_208 {strides = array<i32>} : memref<4x128xi32, #tpu.memory_space<vmem>>, vector<16xi32>,
    %add3A_213 = arith.constant 240 : i32
    %add3A_214 = vector.broadcast %add3A_213 : i32 to vector<16xi32>
    %add3A_215 = arith.addi %iota3A, %add3A_214 : vector<16xi32>
    %mul3A_216 = arith.constant 2 : i32
    %mul3A_217 = vector.broadcast %mul3A_216 : i32 to vector<16xi32>
    %mul3A_218 = arith.muli %add3A_215, %mul3A_217 : vector<16xi32>
    %add3A_219 = arith.constant 0 : i32
    %add3A_220 = vector.broadcast %add3A_219 : i32 to vector<16xi32>
    %add3A_221 = arith.addi %mul3A_218, %add3A_220 : vector<16xi32>
    %gather3A_222 = tpu.vector_load_idx %arg5[%add3A_221] : memref<1024xi32, #tpu.memory_space<vmem>>[vector<16xi32>], vector<16xi32>,
    %swap3A_223 = arith.constant 1 : i32
    %swap3A_224 = arith.index_cast %swap3A_223 : i32 to index
    %swap3A_225 = arith.constant 112 : index
    %swap3A_226 = tpu.vector_load %arg6[%swap3A_224, %swap3A_225] {strides = array<i32>} : memref<4x128xi32, #tpu.memory_space<vmem>>, vector<16xi32>,
    tpu.vector_store %arg6[%swap3A_224, %swap3A_225], %gather3A_222 {strides = array<i32>} : memref<4x128xi32, #tpu.memory_space<vmem>>, vector<16xi32>,
    %add3A_227 = arith.constant 256 : i32
    %add3A_228 = vector.broadcast %add3A_227 : i32 to vector<16xi32>
    %add3A_229 = arith.addi %iota3A, %add3A_228 : vector<16xi32>
    %mul3A_230 = arith.constant 2 : i32
    %mul3A_231 = vector.broadcast %mul3A_230 : i32 to vector<16xi32>
    %mul3A_232 = arith.muli %add3A_229, %mul3A_231 : vector<16xi32>
    %add3A_233 = arith.constant 0 : i32
    %add3A_234 = vector.broadcast %add3A_233 : i32 to vector<16xi32>
    %add3A_235 = arith.addi %mul3A_232, %add3A_234 : vector<16xi32>
    %gather3A_236 = tpu.vector_load_idx %arg5[%add3A_235] : memref<1024xi32, #tpu.memory_space<vmem>>[vector<16xi32>], vector<16xi32>,
    %swap3A_237 = arith.constant 2 : i32
    %swap3A_238 = arith.index_cast %swap3A_237 : i32 to index
    %swap3A_239 = arith.constant 0 : index
    %swap3A_240 = tpu.vector_load %arg6[%swap3A_238, %swap3A_239] {strides = array<i32>} : memref<4x128xi32, #tpu.memory_space<vmem>>, vector<16xi32>,
    tpu.vector_store %arg6[%swap3A_238, %swap3A_239], %gather3A_236 {strides = array<i32>} : memref<4x128xi32, #tpu.memory_space<vmem>>, vector<16xi32>,
    %add3A_241 = arith.constant 272 : i32
    %add3A_242 = vector.broadcast %add3A_241 : i32 to vector<16xi32>
    %add3A_243 = arith.addi %iota3A, %add3A_242 : vector<16xi32>
    %mul3A_244 = arith.constant 2 : i32
    %mul3A_245 = vector.broadcast %mul3A_244 : i32 to vector<16xi32>
    %mul3A_246 = arith.muli %add3A_243, %mul3A_245 : vector<16xi32>
    %add3A_247 = arith.constant 0 : i32
    %add3A_248 = vector.broadcast %add3A_247 : i32 to vector<16xi32>
    %add3A_249 = arith.addi %mul3A_246, %add3A_248 : vector<16xi32>
    %gather3A_250 = tpu.vector_load_idx %arg5[%add3A_249] : memref<1024xi32, #tpu.memory_space<vmem>>[vector<16xi32>], vector<16xi32>,
    %swap3A_251 = arith.constant 2 : i32
    %swap3A_252 = arith.index_cast %swap3A_251 : i32 to index
    %swap3A_253 = arith.constant 16 : index
    %swap3A_254 = tpu.vector_load %arg6[%swap3A_252, %swap3A_253] {strides = array<i32>} : memref<4x128xi32, #tpu.memory_space<vmem>>, vector<16xi32>,
    tpu.vector_store %arg6[%swap3A_252, %swap3A_253], %gather3A_250 {strides = array<i32>} : memref<4x128xi32, #tpu.memory_space<vmem>>, vector<16xi32>,
    %add3A_255 = arith.constant 288 : i32
    %add3A_256 = vector.broadcast %add3A_255 : i32 to vector<16xi32>
    %add3A_257 = arith.addi %iota3A, %add3A_256 : vector<16xi32>
    %mul3A_258 = arith.constant 2 : i32
    %mul3A_259 = vector.broadcast %mul3A_258 : i32 to vector<16xi32>
    %mul3A_260 = arith.muli %add3A_257, %mul3A_259 : vector<16xi32>
    %add3A_261 = arith.constant 0 : i32
    %add3A_262 = vector.broadcast %add3A_261 : i32 to vector<16xi32>
    %add3A_263 = arith.addi %mul3A_260, %add3A_262 : vector<16xi32>
    %gather3A_264 = tpu.vector_load_idx %arg5[%add3A_263] : memref<1024xi32, #tpu.memory_space<vmem>>[vector<16xi32>], vector<16xi32>,
    %swap3A_265 = arith.constant 2 : i32
    %swap3A_266 = arith.index_cast %swap3A_265 : i32 to index
    %swap3A_267 = arith.constant 32 : index
    %swap3A_268 = tpu.vector_load %arg6[%swap3A_266, %swap3A_267] {strides = array<i32>} : memref<4x128xi32, #tpu.memory_space<vmem>>, vector<16xi32>,
    tpu.vector_store %arg6[%swap3A_266, %swap3A_267], %gather3A_264 {strides = array<i32>} : memref<4x128xi32, #tpu.memory_space<vmem>>, vector<16xi32>,
    %add3A_269 = arith.constant 304 : i32
    %add3A_270 = vector.broadcast %add3A_269 : i32 to vector<16xi32>
    %add3A_271 = arith.addi %iota3A, %add3A_270 : vector<16xi32>
    %mul3A_272 = arith.constant 2 : i32
    %mul3A_273 = vector.broadcast %mul3A_272 : i32 to vector<16xi32>
    %mul3A_274 = arith.muli %add3A_271, %mul3A_273 : vector<16xi32>
    %add3A_275 = arith.constant 0 : i32
    %add3A_276 = vector.broadcast %add3A_275 : i32 to vector<16xi32>
    %add3A_277 = arith.addi %mul3A_274, %add3A_276 : vector<16xi32>
    %gather3A_278 = tpu.vector_load_idx %arg5[%add3A_277] : memref<1024xi32, #tpu.memory_space<vmem>>[vector<16xi32>], vector<16xi32>,
    %swap3A_279 = arith.constant 2 : i32
    %swap3A_280 = arith.index_cast %swap3A_279 : i32 to index
    %swap3A_281 = arith.constant 48 : index
    %swap3A_282 = tpu.vector_load %arg6[%swap3A_280, %swap3A_281] {strides = array<i32>} : memref<4x128xi32, #tpu.memory_space<vmem>>, vector<16xi32>,
    tpu.vector_store %arg6[%swap3A_280, %swap3A_281], %gather3A_278 {strides = array<i32>} : memref<4x128xi32, #tpu.memory_space<vmem>>, vector<16xi32>,
    %add3A_283 = arith.constant 320 : i32
    %add3A_284 = vector.broadcast %add3A_283 : i32 to vector<16xi32>
    %add3A_285 = arith.addi %iota3A, %add3A_284 : vector<16xi32>
    %mul3A_286 = arith.constant 2 : i32
    %mul3A_287 = vector.broadcast %mul3A_286 : i32 to vector<16xi32>
    %mul3A_288 = arith.muli %add3A_285, %mul3A_287 : vector<16xi32>
    %add3A_289 = arith.constant 0 : i32
    %add3A_290 = vector.broadcast %add3A_289 : i32 to vector<16xi32>
    %add3A_291 = arith.addi %mul3A_288, %add3A_290 : vector<16xi32>
    %gather3A_292 = tpu.vector_load_idx %arg5[%add3A_291] : memref<1024xi32, #tpu.memory_space<vmem>>[vector<16xi32>], vector<16xi32>,
    %swap3A_293 = arith.constant 2 : i32
    %swap3A_294 = arith.index_cast %swap3A_293 : i32 to index
    %swap3A_295 = arith.constant 64 : index
    %swap3A_296 = tpu.vector_load %arg6[%swap3A_294, %swap3A_295] {strides = array<i32>} : memref<4x128xi32, #tpu.memory_space<vmem>>, vector<16xi32>,
    tpu.vector_store %arg6[%swap3A_294, %swap3A_295], %gather3A_292 {strides = array<i32>} : memref<4x128xi32, #tpu.memory_space<vmem>>, vector<16xi32>,
    %add3A_297 = arith.constant 336 : i32
    %add3A_298 = vector.broadcast %add3A_297 : i32 to vector<16xi32>
    %add3A_299 = arith.addi %iota3A, %add3A_298 : vector<16xi32>
    %mul3A_300 = arith.constant 2 : i32
    %mul3A_301 = vector.broadcast %mul3A_300 : i32 to vector<16xi32>
    %mul3A_302 = arith.muli %add3A_299, %mul3A_301 : vector<16xi32>
    %add3A_303 = arith.constant 0 : i32
    %add3A_304 = vector.broadcast %add3A_303 : i32 to vector<16xi32>
    %add3A_305 = arith.addi %mul3A_302, %add3A_304 : vector<16xi32>
    %gather3A_306 = tpu.vector_load_idx %arg5[%add3A_305] : memref<1024xi32, #tpu.memory_space<vmem>>[vector<16xi32>], vector<16xi32>,
    %swap3A_307 = arith.constant 2 : i32
    %swap3A_308 = arith.index_cast %swap3A_307 : i32 to index
    %swap3A_309 = arith.constant 80 : index
    %swap3A_310 = tpu.vector_load %arg6[%swap3A_308, %swap3A_309] {strides = array<i32>} : memref<4x128xi32, #tpu.memory_space<vmem>>, vector<16xi32>,
    tpu.vector_store %arg6[%swap3A_308, %swap3A_309], %gather3A_306 {strides = array<i32>} : memref<4x128xi32, #tpu.memory_space<vmem>>, vector<16xi32>,
    %add3A_311 = arith.constant 352 : i32
    %add3A_312 = vector.broadcast %add3A_311 : i32 to vector<16xi32>
    %add3A_313 = arith.addi %iota3A, %add3A_312 : vector<16xi32>
    %mul3A_314 = arith.constant 2 : i32
    %mul3A_315 = vector.broadcast %mul3A_314 : i32 to vector<16xi32>
    %mul3A_316 = arith.muli %add3A_313, %mul3A_315 : vector<16xi32>
    %add3A_317 = arith.constant 0 : i32
    %add3A_318 = vector.broadcast %add3A_317 : i32 to vector<16xi32>
    %add3A_319 = arith.addi %mul3A_316, %add3A_318 : vector<16xi32>
    %gather3A_320 = tpu.vector_load_idx %arg5[%add3A_319] : memref<1024xi32, #tpu.memory_space<vmem>>[vector<16xi32>], vector<16xi32>,
    %swap3A_321 = arith.constant 2 : i32
    %swap3A_322 = arith.index_cast %swap3A_321 : i32 to index
    %swap3A_323 = arith.constant 96 : index
    %swap3A_324 = tpu.vector_load %arg6[%swap3A_322, %swap3A_323] {strides = array<i32>} : memref<4x128xi32, #tpu.memory_space<vmem>>, vector<16xi32>,
    tpu.vector_store %arg6[%swap3A_322, %swap3A_323], %gather3A_320 {strides = array<i32>} : memref<4x128xi32, #tpu.memory_space<vmem>>, vector<16xi32>,
    %add3A_325 = arith.constant 368 : i32
    %add3A_326 = vector.broadcast %add3A_325 : i32 to vector<16xi32>
    %add3A_327 = arith.addi %iota3A, %add3A_326 : vector<16xi32>
    %mul3A_328 = arith.constant 2 : i32
    %mul3A_329 = vector.broadcast %mul3A_328 : i32 to vector<16xi32>
    %mul3A_330 = arith.muli %add3A_327, %mul3A_329 : vector<16xi32>
    %add3A_331 = arith.constant 0 : i32
    %add3A_332 = vector.broadcast %add3A_331 : i32 to vector<16xi32>
    %add3A_333 = arith.addi %mul3A_330, %add3A_332 : vector<16xi32>
    %gather3A_334 = tpu.vector_load_idx %arg5[%add3A_333] : memref<1024xi32, #tpu.memory_space<vmem>>[vector<16xi32>], vector<16xi32>,
    %swap3A_335 = arith.constant 2 : i32
    %swap3A_336 = arith.index_cast %swap3A_335 : i32 to index
    %swap3A_337 = arith.constant 112 : index
    %swap3A_338 = tpu.vector_load %arg6[%swap3A_336, %swap3A_337] {strides = array<i32>} : memref<4x128xi32, #tpu.memory_space<vmem>>, vector<16xi32>,
    tpu.vector_store %arg6[%swap3A_336, %swap3A_337], %gather3A_334 {strides = array<i32>} : memref<4x128xi32, #tpu.memory_space<vmem>>, vector<16xi32>,
    %add3A_339 = arith.constant 384 : i32
    %add3A_340 = vector.broadcast %add3A_339 : i32 to vector<16xi32>
    %add3A_341 = arith.addi %iota3A, %add3A_340 : vector<16xi32>
    %mul3A_342 = arith.constant 2 : i32
    %mul3A_343 = vector.broadcast %mul3A_342 : i32 to vector<16xi32>
    %mul3A_344 = arith.muli %add3A_341, %mul3A_343 : vector<16xi32>
    %add3A_345 = arith.constant 0 : i32
    %add3A_346 = vector.broadcast %add3A_345 : i32 to vector<16xi32>
    %add3A_347 = arith.addi %mul3A_344, %add3A_346 : vector<16xi32>
    %gather3A_348 = tpu.vector_load_idx %arg5[%add3A_347] : memref<1024xi32, #tpu.memory_space<vmem>>[vector<16xi32>], vector<16xi32>,
    %swap3A_349 = arith.constant 3 : i32
    %swap3A_350 = arith.index_cast %swap3A_349 : i32 to index
    %swap3A_351 = arith.constant 0 : index
    %swap3A_352 = tpu.vector_load %arg6[%swap3A_350, %swap3A_351] {strides = array<i32>} : memref<4x128xi32, #tpu.memory_space<vmem>>, vector<16xi32>,
    tpu.vector_store %arg6[%swap3A_350, %swap3A_351], %gather3A_348 {strides = array<i32>} : memref<4x128xi32, #tpu.memory_space<vmem>>, vector<16xi32>,
    %add3A_353 = arith.constant 400 : i32
    %add3A_354 = vector.broadcast %add3A_353 : i32 to vector<16xi32>
    %add3A_355 = arith.addi %iota3A, %add3A_354 : vector<16xi32>
    %mul3A_356 = arith.constant 2 : i32
    %mul3A_357 = vector.broadcast %mul3A_356 : i32 to vector<16xi32>
    %mul3A_358 = arith.muli %add3A_355, %mul3A_357 : vector<16xi32>
    %add3A_359 = arith.constant 0 : i32
    %add3A_360 = vector.broadcast %add3A_359 : i32 to vector<16xi32>
    %add3A_361 = arith.addi %mul3A_358, %add3A_360 : vector<16xi32>
    %gather3A_362 = tpu.vector_load_idx %arg5[%add3A_361] : memref<1024xi32, #tpu.memory_space<vmem>>[vector<16xi32>], vector<16xi32>,
    %swap3A_363 = arith.constant 3 : i32
    %swap3A_364 = arith.index_cast %swap3A_363 : i32 to index
    %swap3A_365 = arith.constant 16 : index
    %swap3A_366 = tpu.vector_load %arg6[%swap3A_364, %swap3A_365] {strides = array<i32>} : memref<4x128xi32, #tpu.memory_space<vmem>>, vector<16xi32>,
    tpu.vector_store %arg6[%swap3A_364, %swap3A_365], %gather3A_362 {strides = array<i32>} : memref<4x128xi32, #tpu.memory_space<vmem>>, vector<16xi32>,
    %add3A_367 = arith.constant 416 : i32
    %add3A_368 = vector.broadcast %add3A_367 : i32 to vector<16xi32>
    %add3A_369 = arith.addi %iota3A, %add3A_368 : vector<16xi32>
    %mul3A_370 = arith.constant 2 : i32
    %mul3A_371 = vector.broadcast %mul3A_370 : i32 to vector<16xi32>
    %mul3A_372 = arith.muli %add3A_369, %mul3A_371 : vector<16xi32>
    %add3A_373 = arith.constant 0 : i32
    %add3A_374 = vector.broadcast %add3A_373 : i32 to vector<16xi32>
    %add3A_375 = arith.addi %mul3A_372, %add3A_374 : vector<16xi32>
    %gather3A_376 = tpu.vector_load_idx %arg5[%add3A_375] : memref<1024xi32, #tpu.memory_space<vmem>>[vector<16xi32>], vector<16xi32>,
    %swap3A_377 = arith.constant 3 : i32
    %swap3A_378 = arith.index_cast %swap3A_377 : i32 to index
    %swap3A_379 = arith.constant 32 : index
    %swap3A_380 = tpu.vector_load %arg6[%swap3A_378, %swap3A_379] {strides = array<i32>} : memref<4x128xi32, #tpu.memory_space<vmem>>, vector<16xi32>,
    tpu.vector_store %arg6[%swap3A_378, %swap3A_379], %gather3A_376 {strides = array<i32>} : memref<4x128xi32, #tpu.memory_space<vmem>>, vector<16xi32>,
    %add3A_381 = arith.constant 432 : i32
    %add3A_382 = vector.broadcast %add3A_381 : i32 to vector<16xi32>
    %add3A_383 = arith.addi %iota3A, %add3A_382 : vector<16xi32>
    %mul3A_384 = arith.constant 2 : i32
    %mul3A_385 = vector.broadcast %mul3A_384 : i32 to vector<16xi32>
    %mul3A_386 = arith.muli %add3A_383, %mul3A_385 : vector<16xi32>
    %add3A_387 = arith.constant 0 : i32
    %add3A_388 = vector.broadcast %add3A_387 : i32 to vector<16xi32>
    %add3A_389 = arith.addi %mul3A_386, %add3A_388 : vector<16xi32>
    %gather3A_390 = tpu.vector_load_idx %arg5[%add3A_389] : memref<1024xi32, #tpu.memory_space<vmem>>[vector<16xi32>], vector<16xi32>,
    %swap3A_391 = arith.constant 3 : i32
    %swap3A_392 = arith.index_cast %swap3A_391 : i32 to index
    %swap3A_393 = arith.constant 48 : index
    %swap3A_394 = tpu.vector_load %arg6[%swap3A_392, %swap3A_393] {strides = array<i32>} : memref<4x128xi32, #tpu.memory_space<vmem>>, vector<16xi32>,
    tpu.vector_store %arg6[%swap3A_392, %swap3A_393], %gather3A_390 {strides = array<i32>} : memref<4x128xi32, #tpu.memory_space<vmem>>, vector<16xi32>,
    %add3A_395 = arith.constant 448 : i32
    %add3A_396 = vector.broadcast %add3A_395 : i32 to vector<16xi32>
    %add3A_397 = arith.addi %iota3A, %add3A_396 : vector<16xi32>
    %mul3A_398 = arith.constant 2 : i32
    %mul3A_399 = vector.broadcast %mul3A_398 : i32 to vector<16xi32>
    %mul3A_400 = arith.muli %add3A_397, %mul3A_399 : vector<16xi32>
    %add3A_401 = arith.constant 0 : i32
    %add3A_402 = vector.broadcast %add3A_401 : i32 to vector<16xi32>
    %add3A_403 = arith.addi %mul3A_400, %add3A_402 : vector<16xi32>
    %gather3A_404 = tpu.vector_load_idx %arg5[%add3A_403] : memref<1024xi32, #tpu.memory_space<vmem>>[vector<16xi32>], vector<16xi32>,
    %swap3A_405 = arith.constant 3 : i32
    %swap3A_406 = arith.index_cast %swap3A_405 : i32 to index
    %swap3A_407 = arith.constant 64 : index
    %swap3A_408 = tpu.vector_load %arg6[%swap3A_406, %swap3A_407] {strides = array<i32>} : memref<4x128xi32, #tpu.memory_space<vmem>>, vector<16xi32>,
    tpu.vector_store %arg6[%swap3A_406, %swap3A_407], %gather3A_404 {strides = array<i32>} : memref<4x128xi32, #tpu.memory_space<vmem>>, vector<16xi32>,
    %add3A_409 = arith.constant 464 : i32
    %add3A_410 = vector.broadcast %add3A_409 : i32 to vector<16xi32>
    %add3A_411 = arith.addi %iota3A, %add3A_410 : vector<16xi32>
    %mul3A_412 = arith.constant 2 : i32
    %mul3A_413 = vector.broadcast %mul3A_412 : i32 to vector<16xi32>
    %mul3A_414 = arith.muli %add3A_411, %mul3A_413 : vector<16xi32>
    %add3A_415 = arith.constant 0 : i32
    %add3A_416 = vector.broadcast %add3A_415 : i32 to vector<16xi32>
    %add3A_417 = arith.addi %mul3A_414, %add3A_416 : vector<16xi32>
    %gather3A_418 = tpu.vector_load_idx %arg5[%add3A_417] : memref<1024xi32, #tpu.memory_space<vmem>>[vector<16xi32>], vector<16xi32>,
    %swap3A_419 = arith.constant 3 : i32
    %swap3A_420 = arith.index_cast %swap3A_419 : i32 to index
    %swap3A_421 = arith.constant 80 : index
    %swap3A_422 = tpu.vector_load %arg6[%swap3A_420, %swap3A_421] {strides = array<i32>} : memref<4x128xi32, #tpu.memory_space<vmem>>, vector<16xi32>,
    tpu.vector_store %arg6[%swap3A_420, %swap3A_421], %gather3A_418 {strides = array<i32>} : memref<4x128xi32, #tpu.memory_space<vmem>>, vector<16xi32>,
    %add3A_423 = arith.constant 480 : i32
    %add3A_424 = vector.broadcast %add3A_423 : i32 to vector<16xi32>
    %add3A_425 = arith.addi %iota3A, %add3A_424 : vector<16xi32>
    %mul3A_426 = arith.constant 2 : i32
    %mul3A_427 = vector.broadcast %mul3A_426 : i32 to vector<16xi32>
    %mul3A_428 = arith.muli %add3A_425, %mul3A_427 : vector<16xi32>
    %add3A_429 = arith.constant 0 : i32
    %add3A_430 = vector.broadcast %add3A_429 : i32 to vector<16xi32>
    %add3A_431 = arith.addi %mul3A_428, %add3A_430 : vector<16xi32>
    %gather3A_432 = tpu.vector_load_idx %arg5[%add3A_431] : memref<1024xi32, #tpu.memory_space<vmem>>[vector<16xi32>], vector<16xi32>,
    %swap3A_433 = arith.constant 3 : i32
    %swap3A_434 = arith.index_cast %swap3A_433 : i32 to index
    %swap3A_435 = arith.constant 96 : index
    %swap3A_436 = tpu.vector_load %arg6[%swap3A_434, %swap3A_435] {strides = array<i32>} : memref<4x128xi32, #tpu.memory_space<vmem>>, vector<16xi32>,
    tpu.vector_store %arg6[%swap3A_434, %swap3A_435], %gather3A_432 {strides = array<i32>} : memref<4x128xi32, #tpu.memory_space<vmem>>, vector<16xi32>,
    %add3A_437 = arith.constant 496 : i32
    %add3A_438 = vector.broadcast %add3A_437 : i32 to vector<16xi32>
    %add3A_439 = arith.addi %iota3A, %add3A_438 : vector<16xi32>
    %mul3A_440 = arith.constant 2 : i32
    %mul3A_441 = vector.broadcast %mul3A_440 : i32 to vector<16xi32>
    %mul3A_442 = arith.muli %add3A_439, %mul3A_441 : vector<16xi32>
    %add3A_443 = arith.constant 0 : i32
    %add3A_444 = vector.broadcast %add3A_443 : i32 to vector<16xi32>
    %add3A_445 = arith.addi %mul3A_442, %add3A_444 : vector<16xi32>
    %gather3A_446 = tpu.vector_load_idx %arg5[%add3A_445] : memref<1024xi32, #tpu.memory_space<vmem>>[vector<16xi32>], vector<16xi32>,
    %swap3A_447 = arith.constant 3 : i32
    %swap3A_448 = arith.index_cast %swap3A_447 : i32 to index
    %swap3A_449 = arith.constant 112 : index
    %swap3A_450 = tpu.vector_load %arg6[%swap3A_448, %swap3A_449] {strides = array<i32>} : memref<4x128xi32, #tpu.memory_space<vmem>>, vector<16xi32>,
    tpu.vector_store %arg6[%swap3A_448, %swap3A_449], %gather3A_446 {strides = array<i32>} : memref<4x128xi32, #tpu.memory_space<vmem>>, vector<16xi32>,
    %dma_start3A = arith.constant 0 : i32
    %dma_start3A_451 = arith.constant 0 : i32
    %dma_start3A_452 = arith.constant 0 : i32
    %dma_start3A_453 = tpu.memref_slice %arg7[%dma_start3A_451, %dma_start3A_452] : memref<512x64xf32, #tpu.memory_space<vmem>> -> memref<128x64xf32, #tpu.memory_space<vmem>>
    %dma_start3A_454 = arith.constant 0 : i32
    %dma_start3A_455 = tpu.memref_slice %arg6[%dma_start3A, %dma_start3A_454] : memref<4x128xi32, #tpu.memory_space<vmem>> -> memref<1x128xi32, #tpu.memory_space<vmem>>
    %dma_start3A_456 = tpu.memref_squeeze %dma_start3A_455 : memref<1x128xi32, #tpu.memory_space<vmem>> -> memref<128xi32, #tpu.memory_space<vmem>>
    %dma_start3A_457 = arith.constant 0 : i32
    %dma_start3A_458 = arith.constant 0 : i32
    %dma_start3A_459 = tpu.memref_slice %arg3[%dma_start3A_457, %dma_start3A_458] : memref<100000x64xf32, #tpu.memory_space<hbm>> -> memref<100000x64xf32, #tpu.memory_space<hbm>>
    tpu.enqueue_indirect_dma source(%dma_start3A_459 : memref<100000x64xf32, #tpu.memory_space<hbm>>) target(%dma_start3A_453 : memref<128x64xf32, #tpu.memory_space<vmem>>) offsets(%dma_start3A_456 : memref<128xi32, #tpu.memory_space<vmem>>) semaphore(%arg8 : memref<!tpu.dma_semaphore, #tpu.memory_space<semaphore_mem>>)
    %dma_start3A_460 = arith.constant 1 : i32
    %dma_start3A_461 = arith.constant 128 : i32
    %dma_start3A_462 = arith.constant 0 : i32
    %dma_start3A_463 = tpu.memref_slice %arg7[%dma_start3A_461, %dma_start3A_462] : memref<512x64xf32, #tpu.memory_space<vmem>> -> memref<128x64xf32, #tpu.memory_space<vmem>>
    %dma_start3A_464 = arith.constant 0 : i32
    %dma_start3A_465 = tpu.memref_slice %arg6[%dma_start3A_460, %dma_start3A_464] : memref<4x128xi32, #tpu.memory_space<vmem>> -> memref<1x128xi32, #tpu.memory_space<vmem>>
    %dma_start3A_466 = tpu.memref_squeeze %dma_start3A_465 : memref<1x128xi32, #tpu.memory_space<vmem>> -> memref<128xi32, #tpu.memory_space<vmem>>
    %dma_start3A_467 = arith.constant 0 : i32
    %dma_start3A_468 = arith.constant 0 : i32
    %dma_start3A_469 = tpu.memref_slice %arg3[%dma_start3A_467, %dma_start3A_468] : memref<100000x64xf32, #tpu.memory_space<hbm>> -> memref<100000x64xf32, #tpu.memory_space<hbm>>
    tpu.enqueue_indirect_dma source(%dma_start3A_469 : memref<100000x64xf32, #tpu.memory_space<hbm>>) target(%dma_start3A_463 : memref<128x64xf32, #tpu.memory_space<vmem>>) offsets(%dma_start3A_466 : memref<128xi32, #tpu.memory_space<vmem>>) semaphore(%arg8 : memref<!tpu.dma_semaphore, #tpu.memory_space<semaphore_mem>>)
    %dma_start3A_470 = arith.constant 2 : i32
    %dma_start3A_471 = arith.constant 256 : i32
    %dma_start3A_472 = arith.constant 0 : i32
    %dma_start3A_473 = tpu.memref_slice %arg7[%dma_start3A_471, %dma_start3A_472] : memref<512x64xf32, #tpu.memory_space<vmem>> -> memref<128x64xf32, #tpu.memory_space<vmem>>
    %dma_start3A_474 = arith.constant 0 : i32
    %dma_start3A_475 = tpu.memref_slice %arg6[%dma_start3A_470, %dma_start3A_474] : memref<4x128xi32, #tpu.memory_space<vmem>> -> memref<1x128xi32, #tpu.memory_space<vmem>>
    %dma_start3A_476 = tpu.memref_squeeze %dma_start3A_475 : memref<1x128xi32, #tpu.memory_space<vmem>> -> memref<128xi32, #tpu.memory_space<vmem>>
    %dma_start3A_477 = arith.constant 0 : i32
    %dma_start3A_478 = arith.constant 0 : i32
    %dma_start3A_479 = tpu.memref_slice %arg3[%dma_start3A_477, %dma_start3A_478] : memref<100000x64xf32, #tpu.memory_space<hbm>> -> memref<100000x64xf32, #tpu.memory_space<hbm>>
    tpu.enqueue_indirect_dma source(%dma_start3A_479 : memref<100000x64xf32, #tpu.memory_space<hbm>>) target(%dma_start3A_473 : memref<128x64xf32, #tpu.memory_space<vmem>>) offsets(%dma_start3A_476 : memref<128xi32, #tpu.memory_space<vmem>>) semaphore(%arg8 : memref<!tpu.dma_semaphore, #tpu.memory_space<semaphore_mem>>)
    %dma_start3A_480 = arith.constant 3 : i32
    %dma_start3A_481 = arith.constant 384 : i32
    %dma_start3A_482 = arith.constant 0 : i32
    %dma_start3A_483 = tpu.memref_slice %arg7[%dma_start3A_481, %dma_start3A_482] : memref<512x64xf32, #tpu.memory_space<vmem>> -> memref<128x64xf32, #tpu.memory_space<vmem>>
    %dma_start3A_484 = arith.constant 0 : i32
    %dma_start3A_485 = tpu.memref_slice %arg6[%dma_start3A_480, %dma_start3A_484] : memref<4x128xi32, #tpu.memory_space<vmem>> -> memref<1x128xi32, #tpu.memory_space<vmem>>
    %dma_start3A_486 = tpu.memref_squeeze %dma_start3A_485 : memref<1x128xi32, #tpu.memory_space<vmem>> -> memref<128xi32, #tpu.memory_space<vmem>>
    %dma_start3A_487 = arith.constant 0 : i32
    %dma_start3A_488 = arith.constant 0 : i32
    %dma_start3A_489 = tpu.memref_slice %arg3[%dma_start3A_487, %dma_start3A_488] : memref<100000x64xf32, #tpu.memory_space<hbm>> -> memref<100000x64xf32, #tpu.memory_space<hbm>>
    tpu.enqueue_indirect_dma source(%dma_start3A_489 : memref<100000x64xf32, #tpu.memory_space<hbm>>) target(%dma_start3A_483 : memref<128x64xf32, #tpu.memory_space<vmem>>) offsets(%dma_start3A_486 : memref<128xi32, #tpu.memory_space<vmem>>) semaphore(%arg8 : memref<!tpu.dma_semaphore, #tpu.memory_space<semaphore_mem>>)
    %dma_wait3A = arith.constant 0 : i32
    %dma_wait3A_490 = arith.constant 0 : i32
    %dma_wait3A_491 = arith.constant 0 : i32
    %dma_wait3A_492 = tpu.memref_slice %arg7[%dma_wait3A_490, %dma_wait3A_491] : memref<512x64xf32, #tpu.memory_space<vmem>> -> memref<128x64xf32, #tpu.memory_space<vmem>>
    %dma_wait3A_493 = arith.constant 0 : i32
    %dma_wait3A_494 = tpu.memref_slice %arg6[%dma_wait3A, %dma_wait3A_493] : memref<4x128xi32, #tpu.memory_space<vmem>> -> memref<1x128xi32, #tpu.memory_space<vmem>>
    %dma_wait3A_495 = tpu.memref_squeeze %dma_wait3A_494 : memref<1x128xi32, #tpu.memory_space<vmem>> -> memref<128xi32, #tpu.memory_space<vmem>>
    %dma_wait3A_496 = arith.constant 0 : i32
    %dma_wait3A_497 = arith.constant 0 : i32
    %dma_wait3A_498 = tpu.memref_slice %arg3[%dma_wait3A_496, %dma_wait3A_497] : memref<100000x64xf32, #tpu.memory_space<hbm>> -> memref<100000x64xf32, #tpu.memory_space<hbm>>
    tpu.wait_indirect_dma semaphore(%arg8 : memref<!tpu.dma_semaphore, #tpu.memory_space<semaphore_mem>>) src(%dma_wait3A_498 : memref<100000x64xf32, #tpu.memory_space<hbm>>) dst(%dma_wait3A_492 : memref<128x64xf32, #tpu.memory_space<vmem>>)
    %dma_wait3A_499 = arith.constant 1 : i32
    %dma_wait3A_500 = arith.constant 128 : i32
    %dma_wait3A_501 = arith.constant 0 : i32
    %dma_wait3A_502 = tpu.memref_slice %arg7[%dma_wait3A_500, %dma_wait3A_501] : memref<512x64xf32, #tpu.memory_space<vmem>> -> memref<128x64xf32, #tpu.memory_space<vmem>>
    %dma_wait3A_503 = arith.constant 0 : i32
    %dma_wait3A_504 = tpu.memref_slice %arg6[%dma_wait3A_499, %dma_wait3A_503] : memref<4x128xi32, #tpu.memory_space<vmem>> -> memref<1x128xi32, #tpu.memory_space<vmem>>
    %dma_wait3A_505 = tpu.memref_squeeze %dma_wait3A_504 : memref<1x128xi32, #tpu.memory_space<vmem>> -> memref<128xi32, #tpu.memory_space<vmem>>
    %dma_wait3A_506 = arith.constant 0 : i32
    %dma_wait3A_507 = arith.constant 0 : i32
    %dma_wait3A_508 = tpu.memref_slice %arg3[%dma_wait3A_506, %dma_wait3A_507] : memref<100000x64xf32, #tpu.memory_space<hbm>> -> memref<100000x64xf32, #tpu.memory_space<hbm>>
    tpu.wait_indirect_dma semaphore(%arg8 : memref<!tpu.dma_semaphore, #tpu.memory_space<semaphore_mem>>) src(%dma_wait3A_508 : memref<100000x64xf32, #tpu.memory_space<hbm>>) dst(%dma_wait3A_502 : memref<128x64xf32, #tpu.memory_space<vmem>>)
    %dma_wait3A_509 = arith.constant 2 : i32
    %dma_wait3A_510 = arith.constant 256 : i32
    %dma_wait3A_511 = arith.constant 0 : i32
    %dma_wait3A_512 = tpu.memref_slice %arg7[%dma_wait3A_510, %dma_wait3A_511] : memref<512x64xf32, #tpu.memory_space<vmem>> -> memref<128x64xf32, #tpu.memory_space<vmem>>
    %dma_wait3A_513 = arith.constant 0 : i32
    %dma_wait3A_514 = tpu.memref_slice %arg6[%dma_wait3A_509, %dma_wait3A_513] : memref<4x128xi32, #tpu.memory_space<vmem>> -> memref<1x128xi32, #tpu.memory_space<vmem>>
    %dma_wait3A_515 = tpu.memref_squeeze %dma_wait3A_514 : memref<1x128xi32, #tpu.memory_space<vmem>> -> memref<128xi32, #tpu.memory_space<vmem>>
    %dma_wait3A_516 = arith.constant 0 : i32
    %dma_wait3A_517 = arith.constant 0 : i32
    %dma_wait3A_518 = tpu.memref_slice %arg3[%dma_wait3A_516, %dma_wait3A_517] : memref<100000x64xf32, #tpu.memory_space<hbm>> -> memref<100000x64xf32, #tpu.memory_space<hbm>>
    tpu.wait_indirect_dma semaphore(%arg8 : memref<!tpu.dma_semaphore, #tpu.memory_space<semaphore_mem>>) src(%dma_wait3A_518 : memref<100000x64xf32, #tpu.memory_space<hbm>>) dst(%dma_wait3A_512 : memref<128x64xf32, #tpu.memory_space<vmem>>)
    %dma_wait3A_519 = arith.constant 3 : i32
    %dma_wait3A_520 = arith.constant 384 : i32
    %dma_wait3A_521 = arith.constant 0 : i32
    %dma_wait3A_522 = tpu.memref_slice %arg7[%dma_wait3A_520, %dma_wait3A_521] : memref<512x64xf32, #tpu.memory_space<vmem>> -> memref<128x64xf32, #tpu.memory_space<vmem>>
    %dma_wait3A_523 = arith.constant 0 : i32
    %dma_wait3A_524 = tpu.memref_slice %arg6[%dma_wait3A_519, %dma_wait3A_523] : memref<4x128xi32, #tpu.memory_space<vmem>> -> memref<1x128xi32, #tpu.memory_space<vmem>>
    %dma_wait3A_525 = tpu.memref_squeeze %dma_wait3A_524 : memref<1x128xi32, #tpu.memory_space<vmem>> -> memref<128xi32, #tpu.memory_space<vmem>>
    %dma_wait3A_526 = arith.constant 0 : i32
    %dma_wait3A_527 = arith.constant 0 : i32
    %dma_wait3A_528 = tpu.memref_slice %arg3[%dma_wait3A_526, %dma_wait3A_527] : memref<100000x64xf32, #tpu.memory_space<hbm>> -> memref<100000x64xf32, #tpu.memory_space<hbm>>
    tpu.wait_indirect_dma semaphore(%arg8 : memref<!tpu.dma_semaphore, #tpu.memory_space<semaphore_mem>>) src(%dma_wait3A_528 : memref<100000x64xf32, #tpu.memory_space<hbm>>) dst(%dma_wait3A_522 : memref<128x64xf32, #tpu.memory_space<vmem>>)
    "tpu.region"() ({
      %run_scoped3A = tpu.sem_alloc : memref<!tpu.dma_semaphore, #tpu.memory_space<semaphore_mem>>
      %dma_start3A_529 = arith.constant 0 : i32
      %dma_start3A_530 = tpu.memref_slice %arg4[%mul3A_2, %dma_start3A_529] : memref<16384x64xf32, #tpu.memory_space<hbm>> -> memref<512x64xf32, #tpu.memory_space<hbm>>
      %dma_start3A_531 = arith.constant 0 : i32
      %dma_start3A_532 = tpu.memref_slice %arg4[%mul3A_2, %dma_start3A_531] : memref<16384x64xf32, #tpu.memory_space<hbm>> -> memref<512x64xf32, #tpu.memory_space<hbm>>
      tpu.enqueue_dma source(%arg7 : memref<512x64xf32, #tpu.memory_space<vmem>>) target(%dma_start3A_532 : memref<512x64xf32, #tpu.memory_space<hbm>>) target_semaphore(%run_scoped3A : memref<!tpu.dma_semaphore, #tpu.memory_space<semaphore_mem>>)
      %dma_wait3A_533 = arith.constant 0 : i32
      %dma_wait3A_534 = tpu.memref_slice %arg4[%mul3A_2, %dma_wait3A_533] : memref<16384x64xf32, #tpu.memory_space<hbm>> -> memref<512x64xf32, #tpu.memory_space<hbm>>
      %dma_wait3A_535 = arith.constant 0 : i32
      %dma_wait3A_536 = tpu.memref_slice %arg4[%mul3A_2, %dma_wait3A_535] : memref<16384x64xf32, #tpu.memory_space<hbm>> -> memref<512x64xf32, #tpu.memory_space<hbm>>
      tpu.wait_dma2 semaphore(%run_scoped3A : memref<!tpu.dma_semaphore, #tpu.memory_space<semaphore_mem>>) src(%arg7 : memref<512x64xf32, #tpu.memory_space<vmem>>) dst(%dma_wait3A_536 : memref<512x64xf32, #tpu.memory_space<hbm>>)
      tpu.yield
    }) : () -> ()
    return
  }
}

#map = affine_map<(d0, d1) -> (0)>
#map1 = affine_map<(d0, d1) -> (0, 0)>
module attributes {stable_mosaic.version = 14 : i64} {
  func.func @_gather_item_dot(%arg0: i32, %arg1: i32, %arg2: memref<32768xi32, #tpu.memory_space<hbm>>, %arg3: memref<100000x64xf32, #tpu.memory_space<hbm>>, %arg4: memref<16384x64xf32, #tpu.memory_space<hbm>>, %arg5: memref<16384xf32, #tpu.memory_space<hbm>>, %arg6: memref<1024xi32, #tpu.memory_space<vmem>>, %arg7: memref<4x128xi32, #tpu.memory_space<vmem>>, %arg8: memref<512x64xf32, #tpu.memory_space<vmem>>, %arg9: memref<512x64xf32, #tpu.memory_space<vmem>>, %arg10: memref<512xf32, #tpu.memory_space<vmem>>, %arg11: memref<!tpu.dma_semaphore, #tpu.memory_space<semaphore_mem>>, %arg12: memref<!tpu.dma_semaphore, #tpu.memory_space<semaphore_mem>>) attributes {dimension_semantics = [#tpu.dimension_semantics<core_parallel>, #tpu.dimension_semantics<subcore_parallel>], iteration_bounds = array<i64: 2, 16>, scalar_prefetch = 0 : i64, scratch_operands = 7 : i64, tpu.core_type = #tpu.core_type<sc_vector_subcore>, window_params = [{transform_indices = #map}, {transform_indices = #map1}, {transform_indices = #map1}, {transform_indices = #map}]} {
    %mul3A = arith.constant 2 : i32
    %mul3A_0 = arith.muli %arg1, %mul3A : i32
    %add3A = arith.addi %mul3A_0, %arg0 : i32
    %mul3A_1 = arith.constant 512 : i32
    %mul3A_2 = arith.muli %add3A, %mul3A_1 : i32
    %dma_start3A = arith.constant 0 : i32
    %dma_start3A_3 = tpu.memref_slice %arg4[%mul3A_2, %dma_start3A] : memref<16384x64xf32, #tpu.memory_space<hbm>> -> memref<512x64xf32, #tpu.memory_space<hbm>>
    %dma_start3A_4 = arith.constant 0 : i32
    %dma_start3A_5 = tpu.memref_slice %arg4[%mul3A_2, %dma_start3A_4] : memref<16384x64xf32, #tpu.memory_space<hbm>> -> memref<512x64xf32, #tpu.memory_space<hbm>>
    tpu.enqueue_dma source(%dma_start3A_5 : memref<512x64xf32, #tpu.memory_space<hbm>>) target(%arg8 : memref<512x64xf32, #tpu.memory_space<vmem>>) target_semaphore(%arg12 : memref<!tpu.dma_semaphore, #tpu.memory_space<semaphore_mem>>)
    %mul3A_6 = arith.constant 2 : i32
    %mul3A_7 = arith.muli %mul3A_2, %mul3A_6 : i32
    "tpu.region"() ({
      %run_scoped3A = tpu.sem_alloc : memref<!tpu.dma_semaphore, #tpu.memory_space<semaphore_mem>>
      %dma_start3A_545 = tpu.memref_slice %arg2[%mul3A_7] : memref<32768xi32, #tpu.memory_space<hbm>> -> memref<1024xi32, #tpu.memory_space<hbm>>
      %dma_start3A_546 = tpu.memref_slice %arg2[%mul3A_7] : memref<32768xi32, #tpu.memory_space<hbm>> -> memref<1024xi32, #tpu.memory_space<hbm>>
      tpu.enqueue_dma source(%dma_start3A_546 : memref<1024xi32, #tpu.memory_space<hbm>>) target(%arg6 : memref<1024xi32, #tpu.memory_space<vmem>>) target_semaphore(%run_scoped3A : memref<!tpu.dma_semaphore, #tpu.memory_space<semaphore_mem>>)
      %dma_wait3A_547 = tpu.memref_slice %arg2[%mul3A_7] : memref<32768xi32, #tpu.memory_space<hbm>> -> memref<1024xi32, #tpu.memory_space<hbm>>
      %dma_wait3A_548 = tpu.memref_slice %arg2[%mul3A_7] : memref<32768xi32, #tpu.memory_space<hbm>> -> memref<1024xi32, #tpu.memory_space<hbm>>
      tpu.wait_dma2 semaphore(%run_scoped3A : memref<!tpu.dma_semaphore, #tpu.memory_space<semaphore_mem>>) src(%dma_wait3A_548 : memref<1024xi32, #tpu.memory_space<hbm>>) dst(%arg6 : memref<1024xi32, #tpu.memory_space<vmem>>)
      tpu.yield
    }) : () -> ()
    %iota3A = tpu.iota {dimensions = array<i32: 0>} : vector<16xi32>
    %add3A_8 = arith.constant 0 : i32
    %add3A_9 = vector.broadcast %add3A_8 : i32 to vector<16xi32>
    %add3A_10 = arith.addi %iota3A, %add3A_9 : vector<16xi32>
    %mul3A_11 = arith.constant 2 : i32
    %mul3A_12 = vector.broadcast %mul3A_11 : i32 to vector<16xi32>
    %mul3A_13 = arith.muli %add3A_10, %mul3A_12 : vector<16xi32>
    %add3A_14 = arith.constant 1 : i32
    %add3A_15 = vector.broadcast %add3A_14 : i32 to vector<16xi32>
    %add3A_16 = arith.addi %mul3A_13, %add3A_15 : vector<16xi32>
    %gather3A = tpu.vector_load_idx %arg6[%add3A_16] : memref<1024xi32, #tpu.memory_space<vmem>>[vector<16xi32>], vector<16xi32>,
    %swap3A = arith.constant 0 : i32
    %swap3A_17 = arith.index_cast %swap3A : i32 to index
    %swap3A_18 = arith.constant 0 : index
    %swap3A_19 = tpu.vector_load %arg7[%swap3A_17, %swap3A_18] {strides = array<i32>} : memref<4x128xi32, #tpu.memory_space<vmem>>, vector<16xi32>,
    tpu.vector_store %arg7[%swap3A_17, %swap3A_18], %gather3A {strides = array<i32>} : memref<4x128xi32, #tpu.memory_space<vmem>>, vector<16xi32>,
    %add3A_20 = arith.constant 16 : i32
    %add3A_21 = vector.broadcast %add3A_20 : i32 to vector<16xi32>
    %add3A_22 = arith.addi %iota3A, %add3A_21 : vector<16xi32>
    %mul3A_23 = arith.constant 2 : i32
    %mul3A_24 = vector.broadcast %mul3A_23 : i32 to vector<16xi32>
    %mul3A_25 = arith.muli %add3A_22, %mul3A_24 : vector<16xi32>
    %add3A_26 = arith.constant 1 : i32
    %add3A_27 = vector.broadcast %add3A_26 : i32 to vector<16xi32>
    %add3A_28 = arith.addi %mul3A_25, %add3A_27 : vector<16xi32>
    %gather3A_29 = tpu.vector_load_idx %arg6[%add3A_28] : memref<1024xi32, #tpu.memory_space<vmem>>[vector<16xi32>], vector<16xi32>,
    %swap3A_30 = arith.constant 0 : i32
    %swap3A_31 = arith.index_cast %swap3A_30 : i32 to index
    %swap3A_32 = arith.constant 16 : index
    %swap3A_33 = tpu.vector_load %arg7[%swap3A_31, %swap3A_32] {strides = array<i32>} : memref<4x128xi32, #tpu.memory_space<vmem>>, vector<16xi32>,
    tpu.vector_store %arg7[%swap3A_31, %swap3A_32], %gather3A_29 {strides = array<i32>} : memref<4x128xi32, #tpu.memory_space<vmem>>, vector<16xi32>,
    %add3A_34 = arith.constant 32 : i32
    %add3A_35 = vector.broadcast %add3A_34 : i32 to vector<16xi32>
    %add3A_36 = arith.addi %iota3A, %add3A_35 : vector<16xi32>
    %mul3A_37 = arith.constant 2 : i32
    %mul3A_38 = vector.broadcast %mul3A_37 : i32 to vector<16xi32>
    %mul3A_39 = arith.muli %add3A_36, %mul3A_38 : vector<16xi32>
    %add3A_40 = arith.constant 1 : i32
    %add3A_41 = vector.broadcast %add3A_40 : i32 to vector<16xi32>
    %add3A_42 = arith.addi %mul3A_39, %add3A_41 : vector<16xi32>
    %gather3A_43 = tpu.vector_load_idx %arg6[%add3A_42] : memref<1024xi32, #tpu.memory_space<vmem>>[vector<16xi32>], vector<16xi32>,
    %swap3A_44 = arith.constant 0 : i32
    %swap3A_45 = arith.index_cast %swap3A_44 : i32 to index
    %swap3A_46 = arith.constant 32 : index
    %swap3A_47 = tpu.vector_load %arg7[%swap3A_45, %swap3A_46] {strides = array<i32>} : memref<4x128xi32, #tpu.memory_space<vmem>>, vector<16xi32>,
    tpu.vector_store %arg7[%swap3A_45, %swap3A_46], %gather3A_43 {strides = array<i32>} : memref<4x128xi32, #tpu.memory_space<vmem>>, vector<16xi32>,
    %add3A_48 = arith.constant 48 : i32
    %add3A_49 = vector.broadcast %add3A_48 : i32 to vector<16xi32>
    %add3A_50 = arith.addi %iota3A, %add3A_49 : vector<16xi32>
    %mul3A_51 = arith.constant 2 : i32
    %mul3A_52 = vector.broadcast %mul3A_51 : i32 to vector<16xi32>
    %mul3A_53 = arith.muli %add3A_50, %mul3A_52 : vector<16xi32>
    %add3A_54 = arith.constant 1 : i32
    %add3A_55 = vector.broadcast %add3A_54 : i32 to vector<16xi32>
    %add3A_56 = arith.addi %mul3A_53, %add3A_55 : vector<16xi32>
    %gather3A_57 = tpu.vector_load_idx %arg6[%add3A_56] : memref<1024xi32, #tpu.memory_space<vmem>>[vector<16xi32>], vector<16xi32>,
    %swap3A_58 = arith.constant 0 : i32
    %swap3A_59 = arith.index_cast %swap3A_58 : i32 to index
    %swap3A_60 = arith.constant 48 : index
    %swap3A_61 = tpu.vector_load %arg7[%swap3A_59, %swap3A_60] {strides = array<i32>} : memref<4x128xi32, #tpu.memory_space<vmem>>, vector<16xi32>,
    tpu.vector_store %arg7[%swap3A_59, %swap3A_60], %gather3A_57 {strides = array<i32>} : memref<4x128xi32, #tpu.memory_space<vmem>>, vector<16xi32>,
    %add3A_62 = arith.constant 64 : i32
    %add3A_63 = vector.broadcast %add3A_62 : i32 to vector<16xi32>
    %add3A_64 = arith.addi %iota3A, %add3A_63 : vector<16xi32>
    %mul3A_65 = arith.constant 2 : i32
    %mul3A_66 = vector.broadcast %mul3A_65 : i32 to vector<16xi32>
    %mul3A_67 = arith.muli %add3A_64, %mul3A_66 : vector<16xi32>
    %add3A_68 = arith.constant 1 : i32
    %add3A_69 = vector.broadcast %add3A_68 : i32 to vector<16xi32>
    %add3A_70 = arith.addi %mul3A_67, %add3A_69 : vector<16xi32>
    %gather3A_71 = tpu.vector_load_idx %arg6[%add3A_70] : memref<1024xi32, #tpu.memory_space<vmem>>[vector<16xi32>], vector<16xi32>,
    %swap3A_72 = arith.constant 0 : i32
    %swap3A_73 = arith.index_cast %swap3A_72 : i32 to index
    %swap3A_74 = arith.constant 64 : index
    %swap3A_75 = tpu.vector_load %arg7[%swap3A_73, %swap3A_74] {strides = array<i32>} : memref<4x128xi32, #tpu.memory_space<vmem>>, vector<16xi32>,
    tpu.vector_store %arg7[%swap3A_73, %swap3A_74], %gather3A_71 {strides = array<i32>} : memref<4x128xi32, #tpu.memory_space<vmem>>, vector<16xi32>,
    %add3A_76 = arith.constant 80 : i32
    %add3A_77 = vector.broadcast %add3A_76 : i32 to vector<16xi32>
    %add3A_78 = arith.addi %iota3A, %add3A_77 : vector<16xi32>
    %mul3A_79 = arith.constant 2 : i32
    %mul3A_80 = vector.broadcast %mul3A_79 : i32 to vector<16xi32>
    %mul3A_81 = arith.muli %add3A_78, %mul3A_80 : vector<16xi32>
    %add3A_82 = arith.constant 1 : i32
    %add3A_83 = vector.broadcast %add3A_82 : i32 to vector<16xi32>
    %add3A_84 = arith.addi %mul3A_81, %add3A_83 : vector<16xi32>
    %gather3A_85 = tpu.vector_load_idx %arg6[%add3A_84] : memref<1024xi32, #tpu.memory_space<vmem>>[vector<16xi32>], vector<16xi32>,
    %swap3A_86 = arith.constant 0 : i32
    %swap3A_87 = arith.index_cast %swap3A_86 : i32 to index
    %swap3A_88 = arith.constant 80 : index
    %swap3A_89 = tpu.vector_load %arg7[%swap3A_87, %swap3A_88] {strides = array<i32>} : memref<4x128xi32, #tpu.memory_space<vmem>>, vector<16xi32>,
    tpu.vector_store %arg7[%swap3A_87, %swap3A_88], %gather3A_85 {strides = array<i32>} : memref<4x128xi32, #tpu.memory_space<vmem>>, vector<16xi32>,
    %add3A_90 = arith.constant 96 : i32
    %add3A_91 = vector.broadcast %add3A_90 : i32 to vector<16xi32>
    %add3A_92 = arith.addi %iota3A, %add3A_91 : vector<16xi32>
    %mul3A_93 = arith.constant 2 : i32
    %mul3A_94 = vector.broadcast %mul3A_93 : i32 to vector<16xi32>
    %mul3A_95 = arith.muli %add3A_92, %mul3A_94 : vector<16xi32>
    %add3A_96 = arith.constant 1 : i32
    %add3A_97 = vector.broadcast %add3A_96 : i32 to vector<16xi32>
    %add3A_98 = arith.addi %mul3A_95, %add3A_97 : vector<16xi32>
    %gather3A_99 = tpu.vector_load_idx %arg6[%add3A_98] : memref<1024xi32, #tpu.memory_space<vmem>>[vector<16xi32>], vector<16xi32>,
    %swap3A_100 = arith.constant 0 : i32
    %swap3A_101 = arith.index_cast %swap3A_100 : i32 to index
    %swap3A_102 = arith.constant 96 : index
    %swap3A_103 = tpu.vector_load %arg7[%swap3A_101, %swap3A_102] {strides = array<i32>} : memref<4x128xi32, #tpu.memory_space<vmem>>, vector<16xi32>,
    tpu.vector_store %arg7[%swap3A_101, %swap3A_102], %gather3A_99 {strides = array<i32>} : memref<4x128xi32, #tpu.memory_space<vmem>>, vector<16xi32>,
    %add3A_104 = arith.constant 112 : i32
    %add3A_105 = vector.broadcast %add3A_104 : i32 to vector<16xi32>
    %add3A_106 = arith.addi %iota3A, %add3A_105 : vector<16xi32>
    %mul3A_107 = arith.constant 2 : i32
    %mul3A_108 = vector.broadcast %mul3A_107 : i32 to vector<16xi32>
    %mul3A_109 = arith.muli %add3A_106, %mul3A_108 : vector<16xi32>
    %add3A_110 = arith.constant 1 : i32
    %add3A_111 = vector.broadcast %add3A_110 : i32 to vector<16xi32>
    %add3A_112 = arith.addi %mul3A_109, %add3A_111 : vector<16xi32>
    %gather3A_113 = tpu.vector_load_idx %arg6[%add3A_112] : memref<1024xi32, #tpu.memory_space<vmem>>[vector<16xi32>], vector<16xi32>,
    %swap3A_114 = arith.constant 0 : i32
    %swap3A_115 = arith.index_cast %swap3A_114 : i32 to index
    %swap3A_116 = arith.constant 112 : index
    %swap3A_117 = tpu.vector_load %arg7[%swap3A_115, %swap3A_116] {strides = array<i32>} : memref<4x128xi32, #tpu.memory_space<vmem>>, vector<16xi32>,
    tpu.vector_store %arg7[%swap3A_115, %swap3A_116], %gather3A_113 {strides = array<i32>} : memref<4x128xi32, #tpu.memory_space<vmem>>, vector<16xi32>,
    %add3A_118 = arith.constant 128 : i32
    %add3A_119 = vector.broadcast %add3A_118 : i32 to vector<16xi32>
    %add3A_120 = arith.addi %iota3A, %add3A_119 : vector<16xi32>
    %mul3A_121 = arith.constant 2 : i32
    %mul3A_122 = vector.broadcast %mul3A_121 : i32 to vector<16xi32>
    %mul3A_123 = arith.muli %add3A_120, %mul3A_122 : vector<16xi32>
    %add3A_124 = arith.constant 1 : i32
    %add3A_125 = vector.broadcast %add3A_124 : i32 to vector<16xi32>
    %add3A_126 = arith.addi %mul3A_123, %add3A_125 : vector<16xi32>
    %gather3A_127 = tpu.vector_load_idx %arg6[%add3A_126] : memref<1024xi32, #tpu.memory_space<vmem>>[vector<16xi32>], vector<16xi32>,
    %swap3A_128 = arith.constant 1 : i32
    %swap3A_129 = arith.index_cast %swap3A_128 : i32 to index
    %swap3A_130 = arith.constant 0 : index
    %swap3A_131 = tpu.vector_load %arg7[%swap3A_129, %swap3A_130] {strides = array<i32>} : memref<4x128xi32, #tpu.memory_space<vmem>>, vector<16xi32>,
    tpu.vector_store %arg7[%swap3A_129, %swap3A_130], %gather3A_127 {strides = array<i32>} : memref<4x128xi32, #tpu.memory_space<vmem>>, vector<16xi32>,
    %add3A_132 = arith.constant 144 : i32
    %add3A_133 = vector.broadcast %add3A_132 : i32 to vector<16xi32>
    %add3A_134 = arith.addi %iota3A, %add3A_133 : vector<16xi32>
    %mul3A_135 = arith.constant 2 : i32
    %mul3A_136 = vector.broadcast %mul3A_135 : i32 to vector<16xi32>
    %mul3A_137 = arith.muli %add3A_134, %mul3A_136 : vector<16xi32>
    %add3A_138 = arith.constant 1 : i32
    %add3A_139 = vector.broadcast %add3A_138 : i32 to vector<16xi32>
    %add3A_140 = arith.addi %mul3A_137, %add3A_139 : vector<16xi32>
    %gather3A_141 = tpu.vector_load_idx %arg6[%add3A_140] : memref<1024xi32, #tpu.memory_space<vmem>>[vector<16xi32>], vector<16xi32>,
    %swap3A_142 = arith.constant 1 : i32
    %swap3A_143 = arith.index_cast %swap3A_142 : i32 to index
    %swap3A_144 = arith.constant 16 : index
    %swap3A_145 = tpu.vector_load %arg7[%swap3A_143, %swap3A_144] {strides = array<i32>} : memref<4x128xi32, #tpu.memory_space<vmem>>, vector<16xi32>,
    tpu.vector_store %arg7[%swap3A_143, %swap3A_144], %gather3A_141 {strides = array<i32>} : memref<4x128xi32, #tpu.memory_space<vmem>>, vector<16xi32>,
    %add3A_146 = arith.constant 160 : i32
    %add3A_147 = vector.broadcast %add3A_146 : i32 to vector<16xi32>
    %add3A_148 = arith.addi %iota3A, %add3A_147 : vector<16xi32>
    %mul3A_149 = arith.constant 2 : i32
    %mul3A_150 = vector.broadcast %mul3A_149 : i32 to vector<16xi32>
    %mul3A_151 = arith.muli %add3A_148, %mul3A_150 : vector<16xi32>
    %add3A_152 = arith.constant 1 : i32
    %add3A_153 = vector.broadcast %add3A_152 : i32 to vector<16xi32>
    %add3A_154 = arith.addi %mul3A_151, %add3A_153 : vector<16xi32>
    %gather3A_155 = tpu.vector_load_idx %arg6[%add3A_154] : memref<1024xi32, #tpu.memory_space<vmem>>[vector<16xi32>], vector<16xi32>,
    %swap3A_156 = arith.constant 1 : i32
    %swap3A_157 = arith.index_cast %swap3A_156 : i32 to index
    %swap3A_158 = arith.constant 32 : index
    %swap3A_159 = tpu.vector_load %arg7[%swap3A_157, %swap3A_158] {strides = array<i32>} : memref<4x128xi32, #tpu.memory_space<vmem>>, vector<16xi32>,
    tpu.vector_store %arg7[%swap3A_157, %swap3A_158], %gather3A_155 {strides = array<i32>} : memref<4x128xi32, #tpu.memory_space<vmem>>, vector<16xi32>,
    %add3A_160 = arith.constant 176 : i32
    %add3A_161 = vector.broadcast %add3A_160 : i32 to vector<16xi32>
    %add3A_162 = arith.addi %iota3A, %add3A_161 : vector<16xi32>
    %mul3A_163 = arith.constant 2 : i32
    %mul3A_164 = vector.broadcast %mul3A_163 : i32 to vector<16xi32>
    %mul3A_165 = arith.muli %add3A_162, %mul3A_164 : vector<16xi32>
    %add3A_166 = arith.constant 1 : i32
    %add3A_167 = vector.broadcast %add3A_166 : i32 to vector<16xi32>
    %add3A_168 = arith.addi %mul3A_165, %add3A_167 : vector<16xi32>
    %gather3A_169 = tpu.vector_load_idx %arg6[%add3A_168] : memref<1024xi32, #tpu.memory_space<vmem>>[vector<16xi32>], vector<16xi32>,
    %swap3A_170 = arith.constant 1 : i32
    %swap3A_171 = arith.index_cast %swap3A_170 : i32 to index
    %swap3A_172 = arith.constant 48 : index
    %swap3A_173 = tpu.vector_load %arg7[%swap3A_171, %swap3A_172] {strides = array<i32>} : memref<4x128xi32, #tpu.memory_space<vmem>>, vector<16xi32>,
    tpu.vector_store %arg7[%swap3A_171, %swap3A_172], %gather3A_169 {strides = array<i32>} : memref<4x128xi32, #tpu.memory_space<vmem>>, vector<16xi32>,
    %add3A_174 = arith.constant 192 : i32
    %add3A_175 = vector.broadcast %add3A_174 : i32 to vector<16xi32>
    %add3A_176 = arith.addi %iota3A, %add3A_175 : vector<16xi32>
    %mul3A_177 = arith.constant 2 : i32
    %mul3A_178 = vector.broadcast %mul3A_177 : i32 to vector<16xi32>
    %mul3A_179 = arith.muli %add3A_176, %mul3A_178 : vector<16xi32>
    %add3A_180 = arith.constant 1 : i32
    %add3A_181 = vector.broadcast %add3A_180 : i32 to vector<16xi32>
    %add3A_182 = arith.addi %mul3A_179, %add3A_181 : vector<16xi32>
    %gather3A_183 = tpu.vector_load_idx %arg6[%add3A_182] : memref<1024xi32, #tpu.memory_space<vmem>>[vector<16xi32>], vector<16xi32>,
    %swap3A_184 = arith.constant 1 : i32
    %swap3A_185 = arith.index_cast %swap3A_184 : i32 to index
    %swap3A_186 = arith.constant 64 : index
    %swap3A_187 = tpu.vector_load %arg7[%swap3A_185, %swap3A_186] {strides = array<i32>} : memref<4x128xi32, #tpu.memory_space<vmem>>, vector<16xi32>,
    tpu.vector_store %arg7[%swap3A_185, %swap3A_186], %gather3A_183 {strides = array<i32>} : memref<4x128xi32, #tpu.memory_space<vmem>>, vector<16xi32>,
    %add3A_188 = arith.constant 208 : i32
    %add3A_189 = vector.broadcast %add3A_188 : i32 to vector<16xi32>
    %add3A_190 = arith.addi %iota3A, %add3A_189 : vector<16xi32>
    %mul3A_191 = arith.constant 2 : i32
    %mul3A_192 = vector.broadcast %mul3A_191 : i32 to vector<16xi32>
    %mul3A_193 = arith.muli %add3A_190, %mul3A_192 : vector<16xi32>
    %add3A_194 = arith.constant 1 : i32
    %add3A_195 = vector.broadcast %add3A_194 : i32 to vector<16xi32>
    %add3A_196 = arith.addi %mul3A_193, %add3A_195 : vector<16xi32>
    %gather3A_197 = tpu.vector_load_idx %arg6[%add3A_196] : memref<1024xi32, #tpu.memory_space<vmem>>[vector<16xi32>], vector<16xi32>,
    %swap3A_198 = arith.constant 1 : i32
    %swap3A_199 = arith.index_cast %swap3A_198 : i32 to index
    %swap3A_200 = arith.constant 80 : index
    %swap3A_201 = tpu.vector_load %arg7[%swap3A_199, %swap3A_200] {strides = array<i32>} : memref<4x128xi32, #tpu.memory_space<vmem>>, vector<16xi32>,
    tpu.vector_store %arg7[%swap3A_199, %swap3A_200], %gather3A_197 {strides = array<i32>} : memref<4x128xi32, #tpu.memory_space<vmem>>, vector<16xi32>,
    %add3A_202 = arith.constant 224 : i32
    %add3A_203 = vector.broadcast %add3A_202 : i32 to vector<16xi32>
    %add3A_204 = arith.addi %iota3A, %add3A_203 : vector<16xi32>
    %mul3A_205 = arith.constant 2 : i32
    %mul3A_206 = vector.broadcast %mul3A_205 : i32 to vector<16xi32>
    %mul3A_207 = arith.muli %add3A_204, %mul3A_206 : vector<16xi32>
    %add3A_208 = arith.constant 1 : i32
    %add3A_209 = vector.broadcast %add3A_208 : i32 to vector<16xi32>
    %add3A_210 = arith.addi %mul3A_207, %add3A_209 : vector<16xi32>
    %gather3A_211 = tpu.vector_load_idx %arg6[%add3A_210] : memref<1024xi32, #tpu.memory_space<vmem>>[vector<16xi32>], vector<16xi32>,
    %swap3A_212 = arith.constant 1 : i32
    %swap3A_213 = arith.index_cast %swap3A_212 : i32 to index
    %swap3A_214 = arith.constant 96 : index
    %swap3A_215 = tpu.vector_load %arg7[%swap3A_213, %swap3A_214] {strides = array<i32>} : memref<4x128xi32, #tpu.memory_space<vmem>>, vector<16xi32>,
    tpu.vector_store %arg7[%swap3A_213, %swap3A_214], %gather3A_211 {strides = array<i32>} : memref<4x128xi32, #tpu.memory_space<vmem>>, vector<16xi32>,
    %add3A_216 = arith.constant 240 : i32
    %add3A_217 = vector.broadcast %add3A_216 : i32 to vector<16xi32>
    %add3A_218 = arith.addi %iota3A, %add3A_217 : vector<16xi32>
    %mul3A_219 = arith.constant 2 : i32
    %mul3A_220 = vector.broadcast %mul3A_219 : i32 to vector<16xi32>
    %mul3A_221 = arith.muli %add3A_218, %mul3A_220 : vector<16xi32>
    %add3A_222 = arith.constant 1 : i32
    %add3A_223 = vector.broadcast %add3A_222 : i32 to vector<16xi32>
    %add3A_224 = arith.addi %mul3A_221, %add3A_223 : vector<16xi32>
    %gather3A_225 = tpu.vector_load_idx %arg6[%add3A_224] : memref<1024xi32, #tpu.memory_space<vmem>>[vector<16xi32>], vector<16xi32>,
    %swap3A_226 = arith.constant 1 : i32
    %swap3A_227 = arith.index_cast %swap3A_226 : i32 to index
    %swap3A_228 = arith.constant 112 : index
    %swap3A_229 = tpu.vector_load %arg7[%swap3A_227, %swap3A_228] {strides = array<i32>} : memref<4x128xi32, #tpu.memory_space<vmem>>, vector<16xi32>,
    tpu.vector_store %arg7[%swap3A_227, %swap3A_228], %gather3A_225 {strides = array<i32>} : memref<4x128xi32, #tpu.memory_space<vmem>>, vector<16xi32>,
    %add3A_230 = arith.constant 256 : i32
    %add3A_231 = vector.broadcast %add3A_230 : i32 to vector<16xi32>
    %add3A_232 = arith.addi %iota3A, %add3A_231 : vector<16xi32>
    %mul3A_233 = arith.constant 2 : i32
    %mul3A_234 = vector.broadcast %mul3A_233 : i32 to vector<16xi32>
    %mul3A_235 = arith.muli %add3A_232, %mul3A_234 : vector<16xi32>
    %add3A_236 = arith.constant 1 : i32
    %add3A_237 = vector.broadcast %add3A_236 : i32 to vector<16xi32>
    %add3A_238 = arith.addi %mul3A_235, %add3A_237 : vector<16xi32>
    %gather3A_239 = tpu.vector_load_idx %arg6[%add3A_238] : memref<1024xi32, #tpu.memory_space<vmem>>[vector<16xi32>], vector<16xi32>,
    %swap3A_240 = arith.constant 2 : i32
    %swap3A_241 = arith.index_cast %swap3A_240 : i32 to index
    %swap3A_242 = arith.constant 0 : index
    %swap3A_243 = tpu.vector_load %arg7[%swap3A_241, %swap3A_242] {strides = array<i32>} : memref<4x128xi32, #tpu.memory_space<vmem>>, vector<16xi32>,
    tpu.vector_store %arg7[%swap3A_241, %swap3A_242], %gather3A_239 {strides = array<i32>} : memref<4x128xi32, #tpu.memory_space<vmem>>, vector<16xi32>,
    %add3A_244 = arith.constant 272 : i32
    %add3A_245 = vector.broadcast %add3A_244 : i32 to vector<16xi32>
    %add3A_246 = arith.addi %iota3A, %add3A_245 : vector<16xi32>
    %mul3A_247 = arith.constant 2 : i32
    %mul3A_248 = vector.broadcast %mul3A_247 : i32 to vector<16xi32>
    %mul3A_249 = arith.muli %add3A_246, %mul3A_248 : vector<16xi32>
    %add3A_250 = arith.constant 1 : i32
    %add3A_251 = vector.broadcast %add3A_250 : i32 to vector<16xi32>
    %add3A_252 = arith.addi %mul3A_249, %add3A_251 : vector<16xi32>
    %gather3A_253 = tpu.vector_load_idx %arg6[%add3A_252] : memref<1024xi32, #tpu.memory_space<vmem>>[vector<16xi32>], vector<16xi32>,
    %swap3A_254 = arith.constant 2 : i32
    %swap3A_255 = arith.index_cast %swap3A_254 : i32 to index
    %swap3A_256 = arith.constant 16 : index
    %swap3A_257 = tpu.vector_load %arg7[%swap3A_255, %swap3A_256] {strides = array<i32>} : memref<4x128xi32, #tpu.memory_space<vmem>>, vector<16xi32>,
    tpu.vector_store %arg7[%swap3A_255, %swap3A_256], %gather3A_253 {strides = array<i32>} : memref<4x128xi32, #tpu.memory_space<vmem>>, vector<16xi32>,
    %add3A_258 = arith.constant 288 : i32
    %add3A_259 = vector.broadcast %add3A_258 : i32 to vector<16xi32>
    %add3A_260 = arith.addi %iota3A, %add3A_259 : vector<16xi32>
    %mul3A_261 = arith.constant 2 : i32
    %mul3A_262 = vector.broadcast %mul3A_261 : i32 to vector<16xi32>
    %mul3A_263 = arith.muli %add3A_260, %mul3A_262 : vector<16xi32>
    %add3A_264 = arith.constant 1 : i32
    %add3A_265 = vector.broadcast %add3A_264 : i32 to vector<16xi32>
    %add3A_266 = arith.addi %mul3A_263, %add3A_265 : vector<16xi32>
    %gather3A_267 = tpu.vector_load_idx %arg6[%add3A_266] : memref<1024xi32, #tpu.memory_space<vmem>>[vector<16xi32>], vector<16xi32>,
    %swap3A_268 = arith.constant 2 : i32
    %swap3A_269 = arith.index_cast %swap3A_268 : i32 to index
    %swap3A_270 = arith.constant 32 : index
    %swap3A_271 = tpu.vector_load %arg7[%swap3A_269, %swap3A_270] {strides = array<i32>} : memref<4x128xi32, #tpu.memory_space<vmem>>, vector<16xi32>,
    tpu.vector_store %arg7[%swap3A_269, %swap3A_270], %gather3A_267 {strides = array<i32>} : memref<4x128xi32, #tpu.memory_space<vmem>>, vector<16xi32>,
    %add3A_272 = arith.constant 304 : i32
    %add3A_273 = vector.broadcast %add3A_272 : i32 to vector<16xi32>
    %add3A_274 = arith.addi %iota3A, %add3A_273 : vector<16xi32>
    %mul3A_275 = arith.constant 2 : i32
    %mul3A_276 = vector.broadcast %mul3A_275 : i32 to vector<16xi32>
    %mul3A_277 = arith.muli %add3A_274, %mul3A_276 : vector<16xi32>
    %add3A_278 = arith.constant 1 : i32
    %add3A_279 = vector.broadcast %add3A_278 : i32 to vector<16xi32>
    %add3A_280 = arith.addi %mul3A_277, %add3A_279 : vector<16xi32>
    %gather3A_281 = tpu.vector_load_idx %arg6[%add3A_280] : memref<1024xi32, #tpu.memory_space<vmem>>[vector<16xi32>], vector<16xi32>,
    %swap3A_282 = arith.constant 2 : i32
    %swap3A_283 = arith.index_cast %swap3A_282 : i32 to index
    %swap3A_284 = arith.constant 48 : index
    %swap3A_285 = tpu.vector_load %arg7[%swap3A_283, %swap3A_284] {strides = array<i32>} : memref<4x128xi32, #tpu.memory_space<vmem>>, vector<16xi32>,
    tpu.vector_store %arg7[%swap3A_283, %swap3A_284], %gather3A_281 {strides = array<i32>} : memref<4x128xi32, #tpu.memory_space<vmem>>, vector<16xi32>,
    %add3A_286 = arith.constant 320 : i32
    %add3A_287 = vector.broadcast %add3A_286 : i32 to vector<16xi32>
    %add3A_288 = arith.addi %iota3A, %add3A_287 : vector<16xi32>
    %mul3A_289 = arith.constant 2 : i32
    %mul3A_290 = vector.broadcast %mul3A_289 : i32 to vector<16xi32>
    %mul3A_291 = arith.muli %add3A_288, %mul3A_290 : vector<16xi32>
    %add3A_292 = arith.constant 1 : i32
    %add3A_293 = vector.broadcast %add3A_292 : i32 to vector<16xi32>
    %add3A_294 = arith.addi %mul3A_291, %add3A_293 : vector<16xi32>
    %gather3A_295 = tpu.vector_load_idx %arg6[%add3A_294] : memref<1024xi32, #tpu.memory_space<vmem>>[vector<16xi32>], vector<16xi32>,
    %swap3A_296 = arith.constant 2 : i32
    %swap3A_297 = arith.index_cast %swap3A_296 : i32 to index
    %swap3A_298 = arith.constant 64 : index
    %swap3A_299 = tpu.vector_load %arg7[%swap3A_297, %swap3A_298] {strides = array<i32>} : memref<4x128xi32, #tpu.memory_space<vmem>>, vector<16xi32>,
    tpu.vector_store %arg7[%swap3A_297, %swap3A_298], %gather3A_295 {strides = array<i32>} : memref<4x128xi32, #tpu.memory_space<vmem>>, vector<16xi32>,
    %add3A_300 = arith.constant 336 : i32
    %add3A_301 = vector.broadcast %add3A_300 : i32 to vector<16xi32>
    %add3A_302 = arith.addi %iota3A, %add3A_301 : vector<16xi32>
    %mul3A_303 = arith.constant 2 : i32
    %mul3A_304 = vector.broadcast %mul3A_303 : i32 to vector<16xi32>
    %mul3A_305 = arith.muli %add3A_302, %mul3A_304 : vector<16xi32>
    %add3A_306 = arith.constant 1 : i32
    %add3A_307 = vector.broadcast %add3A_306 : i32 to vector<16xi32>
    %add3A_308 = arith.addi %mul3A_305, %add3A_307 : vector<16xi32>
    %gather3A_309 = tpu.vector_load_idx %arg6[%add3A_308] : memref<1024xi32, #tpu.memory_space<vmem>>[vector<16xi32>], vector<16xi32>,
    %swap3A_310 = arith.constant 2 : i32
    %swap3A_311 = arith.index_cast %swap3A_310 : i32 to index
    %swap3A_312 = arith.constant 80 : index
    %swap3A_313 = tpu.vector_load %arg7[%swap3A_311, %swap3A_312] {strides = array<i32>} : memref<4x128xi32, #tpu.memory_space<vmem>>, vector<16xi32>,
    tpu.vector_store %arg7[%swap3A_311, %swap3A_312], %gather3A_309 {strides = array<i32>} : memref<4x128xi32, #tpu.memory_space<vmem>>, vector<16xi32>,
    %add3A_314 = arith.constant 352 : i32
    %add3A_315 = vector.broadcast %add3A_314 : i32 to vector<16xi32>
    %add3A_316 = arith.addi %iota3A, %add3A_315 : vector<16xi32>
    %mul3A_317 = arith.constant 2 : i32
    %mul3A_318 = vector.broadcast %mul3A_317 : i32 to vector<16xi32>
    %mul3A_319 = arith.muli %add3A_316, %mul3A_318 : vector<16xi32>
    %add3A_320 = arith.constant 1 : i32
    %add3A_321 = vector.broadcast %add3A_320 : i32 to vector<16xi32>
    %add3A_322 = arith.addi %mul3A_319, %add3A_321 : vector<16xi32>
    %gather3A_323 = tpu.vector_load_idx %arg6[%add3A_322] : memref<1024xi32, #tpu.memory_space<vmem>>[vector<16xi32>], vector<16xi32>,
    %swap3A_324 = arith.constant 2 : i32
    %swap3A_325 = arith.index_cast %swap3A_324 : i32 to index
    %swap3A_326 = arith.constant 96 : index
    %swap3A_327 = tpu.vector_load %arg7[%swap3A_325, %swap3A_326] {strides = array<i32>} : memref<4x128xi32, #tpu.memory_space<vmem>>, vector<16xi32>,
    tpu.vector_store %arg7[%swap3A_325, %swap3A_326], %gather3A_323 {strides = array<i32>} : memref<4x128xi32, #tpu.memory_space<vmem>>, vector<16xi32>,
    %add3A_328 = arith.constant 368 : i32
    %add3A_329 = vector.broadcast %add3A_328 : i32 to vector<16xi32>
    %add3A_330 = arith.addi %iota3A, %add3A_329 : vector<16xi32>
    %mul3A_331 = arith.constant 2 : i32
    %mul3A_332 = vector.broadcast %mul3A_331 : i32 to vector<16xi32>
    %mul3A_333 = arith.muli %add3A_330, %mul3A_332 : vector<16xi32>
    %add3A_334 = arith.constant 1 : i32
    %add3A_335 = vector.broadcast %add3A_334 : i32 to vector<16xi32>
    %add3A_336 = arith.addi %mul3A_333, %add3A_335 : vector<16xi32>
    %gather3A_337 = tpu.vector_load_idx %arg6[%add3A_336] : memref<1024xi32, #tpu.memory_space<vmem>>[vector<16xi32>], vector<16xi32>,
    %swap3A_338 = arith.constant 2 : i32
    %swap3A_339 = arith.index_cast %swap3A_338 : i32 to index
    %swap3A_340 = arith.constant 112 : index
    %swap3A_341 = tpu.vector_load %arg7[%swap3A_339, %swap3A_340] {strides = array<i32>} : memref<4x128xi32, #tpu.memory_space<vmem>>, vector<16xi32>,
    tpu.vector_store %arg7[%swap3A_339, %swap3A_340], %gather3A_337 {strides = array<i32>} : memref<4x128xi32, #tpu.memory_space<vmem>>, vector<16xi32>,
    %add3A_342 = arith.constant 384 : i32
    %add3A_343 = vector.broadcast %add3A_342 : i32 to vector<16xi32>
    %add3A_344 = arith.addi %iota3A, %add3A_343 : vector<16xi32>
    %mul3A_345 = arith.constant 2 : i32
    %mul3A_346 = vector.broadcast %mul3A_345 : i32 to vector<16xi32>
    %mul3A_347 = arith.muli %add3A_344, %mul3A_346 : vector<16xi32>
    %add3A_348 = arith.constant 1 : i32
    %add3A_349 = vector.broadcast %add3A_348 : i32 to vector<16xi32>
    %add3A_350 = arith.addi %mul3A_347, %add3A_349 : vector<16xi32>
    %gather3A_351 = tpu.vector_load_idx %arg6[%add3A_350] : memref<1024xi32, #tpu.memory_space<vmem>>[vector<16xi32>], vector<16xi32>,
    %swap3A_352 = arith.constant 3 : i32
    %swap3A_353 = arith.index_cast %swap3A_352 : i32 to index
    %swap3A_354 = arith.constant 0 : index
    %swap3A_355 = tpu.vector_load %arg7[%swap3A_353, %swap3A_354] {strides = array<i32>} : memref<4x128xi32, #tpu.memory_space<vmem>>, vector<16xi32>,
    tpu.vector_store %arg7[%swap3A_353, %swap3A_354], %gather3A_351 {strides = array<i32>} : memref<4x128xi32, #tpu.memory_space<vmem>>, vector<16xi32>,
    %add3A_356 = arith.constant 400 : i32
    %add3A_357 = vector.broadcast %add3A_356 : i32 to vector<16xi32>
    %add3A_358 = arith.addi %iota3A, %add3A_357 : vector<16xi32>
    %mul3A_359 = arith.constant 2 : i32
    %mul3A_360 = vector.broadcast %mul3A_359 : i32 to vector<16xi32>
    %mul3A_361 = arith.muli %add3A_358, %mul3A_360 : vector<16xi32>
    %add3A_362 = arith.constant 1 : i32
    %add3A_363 = vector.broadcast %add3A_362 : i32 to vector<16xi32>
    %add3A_364 = arith.addi %mul3A_361, %add3A_363 : vector<16xi32>
    %gather3A_365 = tpu.vector_load_idx %arg6[%add3A_364] : memref<1024xi32, #tpu.memory_space<vmem>>[vector<16xi32>], vector<16xi32>,
    %swap3A_366 = arith.constant 3 : i32
    %swap3A_367 = arith.index_cast %swap3A_366 : i32 to index
    %swap3A_368 = arith.constant 16 : index
    %swap3A_369 = tpu.vector_load %arg7[%swap3A_367, %swap3A_368] {strides = array<i32>} : memref<4x128xi32, #tpu.memory_space<vmem>>, vector<16xi32>,
    tpu.vector_store %arg7[%swap3A_367, %swap3A_368], %gather3A_365 {strides = array<i32>} : memref<4x128xi32, #tpu.memory_space<vmem>>, vector<16xi32>,
    %add3A_370 = arith.constant 416 : i32
    %add3A_371 = vector.broadcast %add3A_370 : i32 to vector<16xi32>
    %add3A_372 = arith.addi %iota3A, %add3A_371 : vector<16xi32>
    %mul3A_373 = arith.constant 2 : i32
    %mul3A_374 = vector.broadcast %mul3A_373 : i32 to vector<16xi32>
    %mul3A_375 = arith.muli %add3A_372, %mul3A_374 : vector<16xi32>
    %add3A_376 = arith.constant 1 : i32
    %add3A_377 = vector.broadcast %add3A_376 : i32 to vector<16xi32>
    %add3A_378 = arith.addi %mul3A_375, %add3A_377 : vector<16xi32>
    %gather3A_379 = tpu.vector_load_idx %arg6[%add3A_378] : memref<1024xi32, #tpu.memory_space<vmem>>[vector<16xi32>], vector<16xi32>,
    %swap3A_380 = arith.constant 3 : i32
    %swap3A_381 = arith.index_cast %swap3A_380 : i32 to index
    %swap3A_382 = arith.constant 32 : index
    %swap3A_383 = tpu.vector_load %arg7[%swap3A_381, %swap3A_382] {strides = array<i32>} : memref<4x128xi32, #tpu.memory_space<vmem>>, vector<16xi32>,
    tpu.vector_store %arg7[%swap3A_381, %swap3A_382], %gather3A_379 {strides = array<i32>} : memref<4x128xi32, #tpu.memory_space<vmem>>, vector<16xi32>,
    %add3A_384 = arith.constant 432 : i32
    %add3A_385 = vector.broadcast %add3A_384 : i32 to vector<16xi32>
    %add3A_386 = arith.addi %iota3A, %add3A_385 : vector<16xi32>
    %mul3A_387 = arith.constant 2 : i32
    %mul3A_388 = vector.broadcast %mul3A_387 : i32 to vector<16xi32>
    %mul3A_389 = arith.muli %add3A_386, %mul3A_388 : vector<16xi32>
    %add3A_390 = arith.constant 1 : i32
    %add3A_391 = vector.broadcast %add3A_390 : i32 to vector<16xi32>
    %add3A_392 = arith.addi %mul3A_389, %add3A_391 : vector<16xi32>
    %gather3A_393 = tpu.vector_load_idx %arg6[%add3A_392] : memref<1024xi32, #tpu.memory_space<vmem>>[vector<16xi32>], vector<16xi32>,
    %swap3A_394 = arith.constant 3 : i32
    %swap3A_395 = arith.index_cast %swap3A_394 : i32 to index
    %swap3A_396 = arith.constant 48 : index
    %swap3A_397 = tpu.vector_load %arg7[%swap3A_395, %swap3A_396] {strides = array<i32>} : memref<4x128xi32, #tpu.memory_space<vmem>>, vector<16xi32>,
    tpu.vector_store %arg7[%swap3A_395, %swap3A_396], %gather3A_393 {strides = array<i32>} : memref<4x128xi32, #tpu.memory_space<vmem>>, vector<16xi32>,
    %add3A_398 = arith.constant 448 : i32
    %add3A_399 = vector.broadcast %add3A_398 : i32 to vector<16xi32>
    %add3A_400 = arith.addi %iota3A, %add3A_399 : vector<16xi32>
    %mul3A_401 = arith.constant 2 : i32
    %mul3A_402 = vector.broadcast %mul3A_401 : i32 to vector<16xi32>
    %mul3A_403 = arith.muli %add3A_400, %mul3A_402 : vector<16xi32>
    %add3A_404 = arith.constant 1 : i32
    %add3A_405 = vector.broadcast %add3A_404 : i32 to vector<16xi32>
    %add3A_406 = arith.addi %mul3A_403, %add3A_405 : vector<16xi32>
    %gather3A_407 = tpu.vector_load_idx %arg6[%add3A_406] : memref<1024xi32, #tpu.memory_space<vmem>>[vector<16xi32>], vector<16xi32>,
    %swap3A_408 = arith.constant 3 : i32
    %swap3A_409 = arith.index_cast %swap3A_408 : i32 to index
    %swap3A_410 = arith.constant 64 : index
    %swap3A_411 = tpu.vector_load %arg7[%swap3A_409, %swap3A_410] {strides = array<i32>} : memref<4x128xi32, #tpu.memory_space<vmem>>, vector<16xi32>,
    tpu.vector_store %arg7[%swap3A_409, %swap3A_410], %gather3A_407 {strides = array<i32>} : memref<4x128xi32, #tpu.memory_space<vmem>>, vector<16xi32>,
    %add3A_412 = arith.constant 464 : i32
    %add3A_413 = vector.broadcast %add3A_412 : i32 to vector<16xi32>
    %add3A_414 = arith.addi %iota3A, %add3A_413 : vector<16xi32>
    %mul3A_415 = arith.constant 2 : i32
    %mul3A_416 = vector.broadcast %mul3A_415 : i32 to vector<16xi32>
    %mul3A_417 = arith.muli %add3A_414, %mul3A_416 : vector<16xi32>
    %add3A_418 = arith.constant 1 : i32
    %add3A_419 = vector.broadcast %add3A_418 : i32 to vector<16xi32>
    %add3A_420 = arith.addi %mul3A_417, %add3A_419 : vector<16xi32>
    %gather3A_421 = tpu.vector_load_idx %arg6[%add3A_420] : memref<1024xi32, #tpu.memory_space<vmem>>[vector<16xi32>], vector<16xi32>,
    %swap3A_422 = arith.constant 3 : i32
    %swap3A_423 = arith.index_cast %swap3A_422 : i32 to index
    %swap3A_424 = arith.constant 80 : index
    %swap3A_425 = tpu.vector_load %arg7[%swap3A_423, %swap3A_424] {strides = array<i32>} : memref<4x128xi32, #tpu.memory_space<vmem>>, vector<16xi32>,
    tpu.vector_store %arg7[%swap3A_423, %swap3A_424], %gather3A_421 {strides = array<i32>} : memref<4x128xi32, #tpu.memory_space<vmem>>, vector<16xi32>,
    %add3A_426 = arith.constant 480 : i32
    %add3A_427 = vector.broadcast %add3A_426 : i32 to vector<16xi32>
    %add3A_428 = arith.addi %iota3A, %add3A_427 : vector<16xi32>
    %mul3A_429 = arith.constant 2 : i32
    %mul3A_430 = vector.broadcast %mul3A_429 : i32 to vector<16xi32>
    %mul3A_431 = arith.muli %add3A_428, %mul3A_430 : vector<16xi32>
    %add3A_432 = arith.constant 1 : i32
    %add3A_433 = vector.broadcast %add3A_432 : i32 to vector<16xi32>
    %add3A_434 = arith.addi %mul3A_431, %add3A_433 : vector<16xi32>
    %gather3A_435 = tpu.vector_load_idx %arg6[%add3A_434] : memref<1024xi32, #tpu.memory_space<vmem>>[vector<16xi32>], vector<16xi32>,
    %swap3A_436 = arith.constant 3 : i32
    %swap3A_437 = arith.index_cast %swap3A_436 : i32 to index
    %swap3A_438 = arith.constant 96 : index
    %swap3A_439 = tpu.vector_load %arg7[%swap3A_437, %swap3A_438] {strides = array<i32>} : memref<4x128xi32, #tpu.memory_space<vmem>>, vector<16xi32>,
    tpu.vector_store %arg7[%swap3A_437, %swap3A_438], %gather3A_435 {strides = array<i32>} : memref<4x128xi32, #tpu.memory_space<vmem>>, vector<16xi32>,
    %add3A_440 = arith.constant 496 : i32
    %add3A_441 = vector.broadcast %add3A_440 : i32 to vector<16xi32>
    %add3A_442 = arith.addi %iota3A, %add3A_441 : vector<16xi32>
    %mul3A_443 = arith.constant 2 : i32
    %mul3A_444 = vector.broadcast %mul3A_443 : i32 to vector<16xi32>
    %mul3A_445 = arith.muli %add3A_442, %mul3A_444 : vector<16xi32>
    %add3A_446 = arith.constant 1 : i32
    %add3A_447 = vector.broadcast %add3A_446 : i32 to vector<16xi32>
    %add3A_448 = arith.addi %mul3A_445, %add3A_447 : vector<16xi32>
    %gather3A_449 = tpu.vector_load_idx %arg6[%add3A_448] : memref<1024xi32, #tpu.memory_space<vmem>>[vector<16xi32>], vector<16xi32>,
    %swap3A_450 = arith.constant 3 : i32
    %swap3A_451 = arith.index_cast %swap3A_450 : i32 to index
    %swap3A_452 = arith.constant 112 : index
    %swap3A_453 = tpu.vector_load %arg7[%swap3A_451, %swap3A_452] {strides = array<i32>} : memref<4x128xi32, #tpu.memory_space<vmem>>, vector<16xi32>,
    tpu.vector_store %arg7[%swap3A_451, %swap3A_452], %gather3A_449 {strides = array<i32>} : memref<4x128xi32, #tpu.memory_space<vmem>>, vector<16xi32>,
    %dma_start3A_454 = arith.constant 0 : i32
    %dma_start3A_455 = arith.constant 0 : i32
    %dma_start3A_456 = arith.constant 0 : i32
    %dma_start3A_457 = tpu.memref_slice %arg9[%dma_start3A_455, %dma_start3A_456] : memref<512x64xf32, #tpu.memory_space<vmem>> -> memref<128x64xf32, #tpu.memory_space<vmem>>
    %dma_start3A_458 = arith.constant 0 : i32
    %dma_start3A_459 = tpu.memref_slice %arg7[%dma_start3A_454, %dma_start3A_458] : memref<4x128xi32, #tpu.memory_space<vmem>> -> memref<1x128xi32, #tpu.memory_space<vmem>>
    %dma_start3A_460 = tpu.memref_squeeze %dma_start3A_459 : memref<1x128xi32, #tpu.memory_space<vmem>> -> memref<128xi32, #tpu.memory_space<vmem>>
    %dma_start3A_461 = arith.constant 0 : i32
    %dma_start3A_462 = arith.constant 0 : i32
    %dma_start3A_463 = tpu.memref_slice %arg3[%dma_start3A_461, %dma_start3A_462] : memref<100000x64xf32, #tpu.memory_space<hbm>> -> memref<100000x64xf32, #tpu.memory_space<hbm>>
    tpu.enqueue_indirect_dma source(%dma_start3A_463 : memref<100000x64xf32, #tpu.memory_space<hbm>>) target(%dma_start3A_457 : memref<128x64xf32, #tpu.memory_space<vmem>>) offsets(%dma_start3A_460 : memref<128xi32, #tpu.memory_space<vmem>>) semaphore(%arg11 : memref<!tpu.dma_semaphore, #tpu.memory_space<semaphore_mem>>)
    %dma_start3A_464 = arith.constant 1 : i32
    %dma_start3A_465 = arith.constant 128 : i32
    %dma_start3A_466 = arith.constant 0 : i32
    %dma_start3A_467 = tpu.memref_slice %arg9[%dma_start3A_465, %dma_start3A_466] : memref<512x64xf32, #tpu.memory_space<vmem>> -> memref<128x64xf32, #tpu.memory_space<vmem>>
    %dma_start3A_468 = arith.constant 0 : i32
    %dma_start3A_469 = tpu.memref_slice %arg7[%dma_start3A_464, %dma_start3A_468] : memref<4x128xi32, #tpu.memory_space<vmem>> -> memref<1x128xi32, #tpu.memory_space<vmem>>
    %dma_start3A_470 = tpu.memref_squeeze %dma_start3A_469 : memref<1x128xi32, #tpu.memory_space<vmem>> -> memref<128xi32, #tpu.memory_space<vmem>>
    %dma_start3A_471 = arith.constant 0 : i32
    %dma_start3A_472 = arith.constant 0 : i32
    %dma_start3A_473 = tpu.memref_slice %arg3[%dma_start3A_471, %dma_start3A_472] : memref<100000x64xf32, #tpu.memory_space<hbm>> -> memref<100000x64xf32, #tpu.memory_space<hbm>>
    tpu.enqueue_indirect_dma source(%dma_start3A_473 : memref<100000x64xf32, #tpu.memory_space<hbm>>) target(%dma_start3A_467 : memref<128x64xf32, #tpu.memory_space<vmem>>) offsets(%dma_start3A_470 : memref<128xi32, #tpu.memory_space<vmem>>) semaphore(%arg11 : memref<!tpu.dma_semaphore, #tpu.memory_space<semaphore_mem>>)
    %dma_start3A_474 = arith.constant 2 : i32
    %dma_start3A_475 = arith.constant 256 : i32
    %dma_start3A_476 = arith.constant 0 : i32
    %dma_start3A_477 = tpu.memref_slice %arg9[%dma_start3A_475, %dma_start3A_476] : memref<512x64xf32, #tpu.memory_space<vmem>> -> memref<128x64xf32, #tpu.memory_space<vmem>>
    %dma_start3A_478 = arith.constant 0 : i32
    %dma_start3A_479 = tpu.memref_slice %arg7[%dma_start3A_474, %dma_start3A_478] : memref<4x128xi32, #tpu.memory_space<vmem>> -> memref<1x128xi32, #tpu.memory_space<vmem>>
    %dma_start3A_480 = tpu.memref_squeeze %dma_start3A_479 : memref<1x128xi32, #tpu.memory_space<vmem>> -> memref<128xi32, #tpu.memory_space<vmem>>
    %dma_start3A_481 = arith.constant 0 : i32
    %dma_start3A_482 = arith.constant 0 : i32
    %dma_start3A_483 = tpu.memref_slice %arg3[%dma_start3A_481, %dma_start3A_482] : memref<100000x64xf32, #tpu.memory_space<hbm>> -> memref<100000x64xf32, #tpu.memory_space<hbm>>
    tpu.enqueue_indirect_dma source(%dma_start3A_483 : memref<100000x64xf32, #tpu.memory_space<hbm>>) target(%dma_start3A_477 : memref<128x64xf32, #tpu.memory_space<vmem>>) offsets(%dma_start3A_480 : memref<128xi32, #tpu.memory_space<vmem>>) semaphore(%arg11 : memref<!tpu.dma_semaphore, #tpu.memory_space<semaphore_mem>>)
    %dma_start3A_484 = arith.constant 3 : i32
    %dma_start3A_485 = arith.constant 384 : i32
    %dma_start3A_486 = arith.constant 0 : i32
    %dma_start3A_487 = tpu.memref_slice %arg9[%dma_start3A_485, %dma_start3A_486] : memref<512x64xf32, #tpu.memory_space<vmem>> -> memref<128x64xf32, #tpu.memory_space<vmem>>
    %dma_start3A_488 = arith.constant 0 : i32
    %dma_start3A_489 = tpu.memref_slice %arg7[%dma_start3A_484, %dma_start3A_488] : memref<4x128xi32, #tpu.memory_space<vmem>> -> memref<1x128xi32, #tpu.memory_space<vmem>>
    %dma_start3A_490 = tpu.memref_squeeze %dma_start3A_489 : memref<1x128xi32, #tpu.memory_space<vmem>> -> memref<128xi32, #tpu.memory_space<vmem>>
    %dma_start3A_491 = arith.constant 0 : i32
    %dma_start3A_492 = arith.constant 0 : i32
    %dma_start3A_493 = tpu.memref_slice %arg3[%dma_start3A_491, %dma_start3A_492] : memref<100000x64xf32, #tpu.memory_space<hbm>> -> memref<100000x64xf32, #tpu.memory_space<hbm>>
    tpu.enqueue_indirect_dma source(%dma_start3A_493 : memref<100000x64xf32, #tpu.memory_space<hbm>>) target(%dma_start3A_487 : memref<128x64xf32, #tpu.memory_space<vmem>>) offsets(%dma_start3A_490 : memref<128xi32, #tpu.memory_space<vmem>>) semaphore(%arg11 : memref<!tpu.dma_semaphore, #tpu.memory_space<semaphore_mem>>)
    %dma_wait3A = arith.constant 0 : i32
    %dma_wait3A_494 = tpu.memref_slice %arg4[%mul3A_2, %dma_wait3A] : memref<16384x64xf32, #tpu.memory_space<hbm>> -> memref<512x64xf32, #tpu.memory_space<hbm>>
    %dma_wait3A_495 = arith.constant 0 : i32
    %dma_wait3A_496 = tpu.memref_slice %arg4[%mul3A_2, %dma_wait3A_495] : memref<16384x64xf32, #tpu.memory_space<hbm>> -> memref<512x64xf32, #tpu.memory_space<hbm>>
    tpu.wait_dma2 semaphore(%arg12 : memref<!tpu.dma_semaphore, #tpu.memory_space<semaphore_mem>>) src(%dma_wait3A_496 : memref<512x64xf32, #tpu.memory_space<hbm>>) dst(%arg8 : memref<512x64xf32, #tpu.memory_space<vmem>>)
    %dma_wait3A_497 = arith.constant 0 : i32
    %dma_wait3A_498 = arith.constant 0 : i32
    %dma_wait3A_499 = arith.constant 0 : i32
    %dma_wait3A_500 = tpu.memref_slice %arg9[%dma_wait3A_498, %dma_wait3A_499] : memref<512x64xf32, #tpu.memory_space<vmem>> -> memref<128x64xf32, #tpu.memory_space<vmem>>
    %dma_wait3A_501 = arith.constant 0 : i32
    %dma_wait3A_502 = tpu.memref_slice %arg7[%dma_wait3A_497, %dma_wait3A_501] : memref<4x128xi32, #tpu.memory_space<vmem>> -> memref<1x128xi32, #tpu.memory_space<vmem>>
    %dma_wait3A_503 = tpu.memref_squeeze %dma_wait3A_502 : memref<1x128xi32, #tpu.memory_space<vmem>> -> memref<128xi32, #tpu.memory_space<vmem>>
    %dma_wait3A_504 = arith.constant 0 : i32
    %dma_wait3A_505 = arith.constant 0 : i32
    %dma_wait3A_506 = tpu.memref_slice %arg3[%dma_wait3A_504, %dma_wait3A_505] : memref<100000x64xf32, #tpu.memory_space<hbm>> -> memref<100000x64xf32, #tpu.memory_space<hbm>>
    tpu.wait_indirect_dma semaphore(%arg11 : memref<!tpu.dma_semaphore, #tpu.memory_space<semaphore_mem>>) src(%dma_wait3A_506 : memref<100000x64xf32, #tpu.memory_space<hbm>>) dst(%dma_wait3A_500 : memref<128x64xf32, #tpu.memory_space<vmem>>)
    %dma_wait3A_507 = arith.constant 1 : i32
    %dma_wait3A_508 = arith.constant 128 : i32
    %dma_wait3A_509 = arith.constant 0 : i32
    %dma_wait3A_510 = tpu.memref_slice %arg9[%dma_wait3A_508, %dma_wait3A_509] : memref<512x64xf32, #tpu.memory_space<vmem>> -> memref<128x64xf32, #tpu.memory_space<vmem>>
    %dma_wait3A_511 = arith.constant 0 : i32
    %dma_wait3A_512 = tpu.memref_slice %arg7[%dma_wait3A_507, %dma_wait3A_511] : memref<4x128xi32, #tpu.memory_space<vmem>> -> memref<1x128xi32, #tpu.memory_space<vmem>>
    %dma_wait3A_513 = tpu.memref_squeeze %dma_wait3A_512 : memref<1x128xi32, #tpu.memory_space<vmem>> -> memref<128xi32, #tpu.memory_space<vmem>>
    %dma_wait3A_514 = arith.constant 0 : i32
    %dma_wait3A_515 = arith.constant 0 : i32
    %dma_wait3A_516 = tpu.memref_slice %arg3[%dma_wait3A_514, %dma_wait3A_515] : memref<100000x64xf32, #tpu.memory_space<hbm>> -> memref<100000x64xf32, #tpu.memory_space<hbm>>
    tpu.wait_indirect_dma semaphore(%arg11 : memref<!tpu.dma_semaphore, #tpu.memory_space<semaphore_mem>>) src(%dma_wait3A_516 : memref<100000x64xf32, #tpu.memory_space<hbm>>) dst(%dma_wait3A_510 : memref<128x64xf32, #tpu.memory_space<vmem>>)
    %dma_wait3A_517 = arith.constant 2 : i32
    %dma_wait3A_518 = arith.constant 256 : i32
    %dma_wait3A_519 = arith.constant 0 : i32
    %dma_wait3A_520 = tpu.memref_slice %arg9[%dma_wait3A_518, %dma_wait3A_519] : memref<512x64xf32, #tpu.memory_space<vmem>> -> memref<128x64xf32, #tpu.memory_space<vmem>>
    %dma_wait3A_521 = arith.constant 0 : i32
    %dma_wait3A_522 = tpu.memref_slice %arg7[%dma_wait3A_517, %dma_wait3A_521] : memref<4x128xi32, #tpu.memory_space<vmem>> -> memref<1x128xi32, #tpu.memory_space<vmem>>
    %dma_wait3A_523 = tpu.memref_squeeze %dma_wait3A_522 : memref<1x128xi32, #tpu.memory_space<vmem>> -> memref<128xi32, #tpu.memory_space<vmem>>
    %dma_wait3A_524 = arith.constant 0 : i32
    %dma_wait3A_525 = arith.constant 0 : i32
    %dma_wait3A_526 = tpu.memref_slice %arg3[%dma_wait3A_524, %dma_wait3A_525] : memref<100000x64xf32, #tpu.memory_space<hbm>> -> memref<100000x64xf32, #tpu.memory_space<hbm>>
    tpu.wait_indirect_dma semaphore(%arg11 : memref<!tpu.dma_semaphore, #tpu.memory_space<semaphore_mem>>) src(%dma_wait3A_526 : memref<100000x64xf32, #tpu.memory_space<hbm>>) dst(%dma_wait3A_520 : memref<128x64xf32, #tpu.memory_space<vmem>>)
    %dma_wait3A_527 = arith.constant 3 : i32
    %dma_wait3A_528 = arith.constant 384 : i32
    %dma_wait3A_529 = arith.constant 0 : i32
    %dma_wait3A_530 = tpu.memref_slice %arg9[%dma_wait3A_528, %dma_wait3A_529] : memref<512x64xf32, #tpu.memory_space<vmem>> -> memref<128x64xf32, #tpu.memory_space<vmem>>
    %dma_wait3A_531 = arith.constant 0 : i32
    %dma_wait3A_532 = tpu.memref_slice %arg7[%dma_wait3A_527, %dma_wait3A_531] : memref<4x128xi32, #tpu.memory_space<vmem>> -> memref<1x128xi32, #tpu.memory_space<vmem>>
    %dma_wait3A_533 = tpu.memref_squeeze %dma_wait3A_532 : memref<1x128xi32, #tpu.memory_space<vmem>> -> memref<128xi32, #tpu.memory_space<vmem>>
    %dma_wait3A_534 = arith.constant 0 : i32
    %dma_wait3A_535 = arith.constant 0 : i32
    %dma_wait3A_536 = tpu.memref_slice %arg3[%dma_wait3A_534, %dma_wait3A_535] : memref<100000x64xf32, #tpu.memory_space<hbm>> -> memref<100000x64xf32, #tpu.memory_space<hbm>>
    tpu.wait_indirect_dma semaphore(%arg11 : memref<!tpu.dma_semaphore, #tpu.memory_space<semaphore_mem>>) src(%dma_wait3A_536 : memref<100000x64xf32, #tpu.memory_space<hbm>>) dst(%dma_wait3A_530 : memref<128x64xf32, #tpu.memory_space<vmem>>)
    %iota3A_537 = tpu.iota {dimensions = array<i32: 0>} : vector<16xi32>
    %eq3A = arith.constant 15 : i32
    %eq3A_538 = vector.broadcast %eq3A : i32 to vector<16xi32>
    %eq3A_539 = arith.cmpi eq, %iota3A_537, %eq3A_538 : vector<16xi32>
    %scan3A = arith.constant 0 : i32
    %scan3A_540 = arith.constant 0 : i32
    %scan3A_541 = arith.constant 512 : i32
    %scan3A_542 = arith.addi %scan3A_540, %scan3A_541 : i32
    %scan3A_543 = arith.constant 1 : i32
    scf.for %scan3A_545 = %scan3A_540 to %scan3A_542 step %scan3A_543  : i32 {
      %get3A = arith.index_cast %scan3A_545 : i32 to index
      %get3A_546 = arith.constant 0 : index
      %get3A_547 = tpu.vector_load %arg8[%get3A, %get3A_546] {strides = array<i32>} : memref<512x64xf32, #tpu.memory_space<vmem>>, vector<16xf32>,
      %get3A_548 = arith.index_cast %scan3A_545 : i32 to index
      %get3A_549 = arith.constant 0 : index
      %get3A_550 = tpu.vector_load %arg9[%get3A_548, %get3A_549] {strides = array<i32>} : memref<512x64xf32, #tpu.memory_space<vmem>>, vector<16xf32>,
      %mul3A_551 = arith.mulf %get3A_547, %get3A_550 : vector<16xf32>
      %get3A_552 = arith.index_cast %scan3A_545 : i32 to index
      %get3A_553 = arith.constant 16 : index
      %get3A_554 = tpu.vector_load %arg8[%get3A_552, %get3A_553] {strides = array<i32>} : memref<512x64xf32, #tpu.memory_space<vmem>>, vector<16xf32>,
      %get3A_555 = arith.index_cast %scan3A_545 : i32 to index
      %get3A_556 = arith.constant 16 : index
      %get3A_557 = tpu.vector_load %arg9[%get3A_555, %get3A_556] {strides = array<i32>} : memref<512x64xf32, #tpu.memory_space<vmem>>, vector<16xf32>,
      %mul3A_558 = arith.mulf %get3A_554, %get3A_557 : vector<16xf32>
      %add3A_559 = arith.addf %mul3A_551, %mul3A_558 : vector<16xf32>
      %get3A_560 = arith.index_cast %scan3A_545 : i32 to index
      %get3A_561 = arith.constant 32 : index
      %get3A_562 = tpu.vector_load %arg8[%get3A_560, %get3A_561] {strides = array<i32>} : memref<512x64xf32, #tpu.memory_space<vmem>>, vector<16xf32>,
      %get3A_563 = arith.index_cast %scan3A_545 : i32 to index
      %get3A_564 = arith.constant 32 : index
      %get3A_565 = tpu.vector_load %arg9[%get3A_563, %get3A_564] {strides = array<i32>} : memref<512x64xf32, #tpu.memory_space<vmem>>, vector<16xf32>,
      %mul3A_566 = arith.mulf %get3A_562, %get3A_565 : vector<16xf32>
      %add3A_567 = arith.addf %add3A_559, %mul3A_566 : vector<16xf32>
      %get3A_568 = arith.index_cast %scan3A_545 : i32 to index
      %get3A_569 = arith.constant 48 : index
      %get3A_570 = tpu.vector_load %arg8[%get3A_568, %get3A_569] {strides = array<i32>} : memref<512x64xf32, #tpu.memory_space<vmem>>, vector<16xf32>,
      %get3A_571 = arith.index_cast %scan3A_545 : i32 to index
      %get3A_572 = arith.constant 48 : index
      %get3A_573 = tpu.vector_load %arg9[%get3A_571, %get3A_572] {strides = array<i32>} : memref<512x64xf32, #tpu.memory_space<vmem>>, vector<16xf32>,
      %mul3A_574 = arith.mulf %get3A_570, %get3A_573 : vector<16xf32>
      %add3A_575 = arith.addf %add3A_567, %mul3A_574 : vector<16xf32>
      %broadcast_in_dim3A = arith.constant true
      %broadcast_in_dim3A_576 = vector.broadcast %broadcast_in_dim3A : i1 to vector<16xi1>
      %masked_cumsum3A = tpu.scan <sum>, %add3A_575 masked %broadcast_in_dim3A_576 : vector<16xf32>, vector<16xi1> -> vector<16xf32>
      %broadcast_in_dim3A_577 = vector.broadcast %scan3A_545 : i32 to vector<16xi32>
      tpu.vector_store_idx %arg10[%broadcast_in_dim3A_577], %masked_cumsum3A masked %eq3A_539 : memref<512xf32, #tpu.memory_space<vmem>>[vector<16xi32>], vector<16xf32>, vector<16xi1>
    }
    %scan3A_544 = arith.constant 512 : i32
    "tpu.region"() ({
      %run_scoped3A = tpu.sem_alloc : memref<!tpu.dma_semaphore, #tpu.memory_space<semaphore_mem>>
      %dma_start3A_545 = tpu.memref_slice %arg5[%mul3A_2] : memref<16384xf32, #tpu.memory_space<hbm>> -> memref<512xf32, #tpu.memory_space<hbm>>
      %dma_start3A_546 = tpu.memref_slice %arg5[%mul3A_2] : memref<16384xf32, #tpu.memory_space<hbm>> -> memref<512xf32, #tpu.memory_space<hbm>>
      tpu.enqueue_dma source(%arg10 : memref<512xf32, #tpu.memory_space<vmem>>) target(%dma_start3A_546 : memref<512xf32, #tpu.memory_space<hbm>>) target_semaphore(%run_scoped3A : memref<!tpu.dma_semaphore, #tpu.memory_space<semaphore_mem>>)
      %dma_wait3A_547 = tpu.memref_slice %arg5[%mul3A_2] : memref<16384xf32, #tpu.memory_space<hbm>> -> memref<512xf32, #tpu.memory_space<hbm>>
      %dma_wait3A_548 = tpu.memref_slice %arg5[%mul3A_2] : memref<16384xf32, #tpu.memory_space<hbm>> -> memref<512xf32, #tpu.memory_space<hbm>>
      tpu.wait_dma2 semaphore(%run_scoped3A : memref<!tpu.dma_semaphore, #tpu.memory_space<semaphore_mem>>) src(%arg10 : memref<512xf32, #tpu.memory_space<vmem>>) dst(%dma_wait3A_548 : memref<512xf32, #tpu.memory_space<hbm>>)
      tpu.yield
    }) : () -> ()
    return
  }
}

</mosaic_0001>

<sc_bundles>
// kernel: kernel.4.cloned.1.call-start
scs
__scs_entry_jumppad:
0x0: {  	(pc) =	sbr.rel $0x88, $3  }
0x1: {  	(tag) =	ssettag $0x0;
	lr =	simm.s32 $0x1  }
0x2: {  	[smem:$0x3F9E] =	sst lr;
	_ =	strace $0xD0000000  }
0x3: {  	_ = 	snop  }
0x4: {  	_ = 	snop  }
0x5: {  	_ = 	snop  }
0x6: {  	_ = 	snop  }
0x7: {  	_ = 	snop  }
__scs_overlays_trampoline_lowered:
0x8: {  	[smem:$0x3FAD] =	sst s0  }
0x9: {  	[smem:$0x3FAE] =	sst s1  }
0xa: {  	[smem:$0x3FAF] =	sst s2  }
0xb: {  	[smem:$0x3FB0] =	sst s3  }
0xc: {  	[smem:$0x3FB1] =	sst s4  }
0xd: {  	[smem:$0x3FB2] =	sst s5  }
0xe: {  	[smem:$0x3FB3] =	sst s6  }
0xf: {  	[smem:$0x3FB4] =	sst s7  }
0x10: {  	[smem:$0x3FB5] =	sst s8  }
0x11: {  	[smem:$0x3FB6] =	sst s9;
	s0 =	simm.s32 @!p0 $0x0  }
0x12: {  	s1 =	sld [smem:$0x3F9C];
	s0 =	simm.s32 @p0 $0x1  }
0x13: {  	[smem:$0x3FB7] =	sst s0;
	s0 =	simm.s32 @!p1 $0x0  }
0x14: {  	s2 =	sld [smem:$0x3F9B];
	s0 =	simm.s32 @p1 $0x1  }
0x15: {  	[smem:$0x3FB8] =	sst s0;
	s0 =	simm.s32 @!p2 $0x0  }
0x16: {  	s3 =	sld [smem:$0x3FDB];
	s0 =	simm.s32 @p2 $0x1  }
0x17: {  	s4 =	simm.s32 $0x1BF5;
	[smem:$0x3FBA] =	sst s0  }
0x18: {  	s0 =	sld [smem:$0x3F9D];
	_ =	swait.ge [sflag:s4], $0x0  }
0x19: {  	s7 =	sld [smem:$0x3F9E]  }
0x1a: {  	s8 =	sadd.s32 $0xFFFFE003, lr  }
0x1b: {  	s9 =	sadd.s32 $0xFFFFFEF7, lr;
	s5 =	simm.s32 $0xFFFFFFFF;
	p2 =	slt.u32 s8, $0xFFFFF086  }
0x1c: {  	p1 =	slt.u32 s9, $0xF7A;
	s5 =	simm.s32 @!p2 $0x0  }
0x1d: {  	s5 =	simm.s32 @p1 $0x1;
	p0 =	seq.s32 s7, s2  }
0x1e: {  	s7 =	smul.u32 @!p0 $0xF7A, s2;
	p2 =	seq.s32 @!p0 s5, $0x0  }
0x1f: {  	s9 =	smul.u32 $0xF7A, s1;
	s8 =	simm.s32 @!p0 $0x1BF5;
	p2 =	por !p2, p0  }
0x20: {  	[sflag:s8] =	ssyncset.s32 @!p0 $0xFFFFF086;
	s6 =	sadd.s32 @!p0 s3, s7;
	s7 =	simm.s32 @!p0 $0x108  }
0x21: {  	s3 =	sadd.s32 s3, s9;
	s6 =	sadd.s32 @!p0 $0x88, s6;
	s7 =	simm.s32 @p2 $0x1082  }
0x22: {  	[simem:s7], [sflag:s8] =	dma.local @!p0 [hbm:s6], $0xF7A  }
0x23: {  	s9 =	sor.u32 $0xD0000000, s2;
	s6 =	simm.s32 $0x108;
	_ =	swait.ge @!p0 [sflag:s8], $0x0  }
0x24: {  	s3 =	sadd.s32 $0x88, s3;
	s6 =	simm.s32 @!p1 $0x1082;
	[sflag:s4] =	ssyncset.s32 $0xFFFFF086  }
0x25: {  	[simem:s6], [sflag:s4] =	dma.local [hbm:s3], $0xF7A  }
0x26: {  	[smem:$0x3F9E] =	sst s1;
	(tag) =	ssettag s2;
	_ =	strace s9  }
0x27: {  	s1 =	sld [smem:$0x3FAE]  }
0x28: {  	s2 =	sld [smem:$0x3FAF]  }
0x29: {  	s4 =	sld [smem:$0x3FB1]  }
0x2a: {  	p0 =	seq.s32 s5, $0x0;
	s5 =	sld [smem:$0x3FB2]  }
0x2b: {  	s6 =	sld [smem:$0x3FB3]  }
0x2c: {  	s7 =	sld [smem:$0x3FB4]  }
0x2d: {  	s3 =	simm.s32 $0x108;
	s8 =	sld [smem:$0x3FB5]  }
0x2e: {  	s3 =	simm.s32 @!p0 $0x1082;
	s9 =	sld [smem:$0x3FB6]  }
0x2f: {  	lr =	sadd.s32 s0, s3;
	s0 =	sld [smem:$0x3FAD]  }
0x30: {  	s3 =	sld [smem:$0x3FB0]  }
0x31: {  	[smem:$0x3FB9] =	sst s10  }
0x32: {  	s10 =	sld [smem:$0x3FB7];
	_ =	sdelay $0x3  }
0x33: {  	p0 =	seq.s32 s10, $0x1;
	s10 =	sld [smem:$0x3FB9];
	_ =	sdelay $0x3  }
0x34: {  	[smem:$0x3FB9] =	sst s10  }
0x35: {  	s10 =	sld [smem:$0x3FB8];
	_ =	sdelay $0x3  }
0x36: {  	p1 =	seq.s32 s10, $0x1;
	s10 =	sld [smem:$0x3FB9];
	_ =	sdelay $0x3  }
0x37: {  	[smem:$0x3FB9] =	sst s10  }
0x38: {  	s10 =	sld [smem:$0x3FBA]  }
0x39: {  	_ = 	snop;
	(pc) =	sbr.ind lr, $3  }
0x3a: {  	_ = 	snop  }
0x3b: {  	_ = 	snop  }
0x3c: {  	p2 =	seq.s32 s10, $0x1;
	s10 =	sld [smem:$0x3FB9]  }
0x3d: {  	_ =	shalt  }
0x3e: {  	_ =	shalt  }
0x3f: {  	_ =	shalt  }
0x40: {  	_ =	shalt  }
0x41: {  	_ =	shalt  }
0x42: {  	_ =	shalt  }
0x43: {  	_ =	shalt  }
0x44: {  	_ =	shalt  }
0x45: {  	_ =	shalt  }
0x46: {  	_ =	shalt  }
0x47: {  	_ =	shalt  }
0x48: {  	_ =	shalt  }
0x49: {  	_ =	shalt  }
0x4a: {  	_ =	shalt  }
0x4b: {  	_ =	shalt  }
0x4c: {  	_ =	shalt  }
0x4d: {  	_ =	shalt  }
0x4e: {  	_ =	shalt  }
0x4f: {  	_ =	shalt  }
0x50: {  	_ =	shalt  }
0x51: {  	_ =	shalt  }
0x52: {  	_ =	shalt  }
0x53: {  	_ =	shalt  }
0x54: {  	_ =	shalt  }
0x55: {  	_ =	shalt  }
0x56: {  	_ =	shalt  }
0x57: {  	_ =	shalt  }
0x58: {  	_ =	shalt  }
0x59: {  	_ =	shalt  }
0x5a: {  	_ =	shalt  }
0x5b: {  	_ =	shalt  }
0x5c: {  	_ =	shalt  }
0x5d: {  	_ =	shalt  }
0x5e: {  	_ =	shalt  }
0x5f: {  	_ =	shalt  }
0x60: {  	_ =	shalt  }
0x61: {  	_ =	shalt  }
0x62: {  	_ =	shalt  }
0x63: {  	_ =	shalt  }
0x64: {  	_ =	shalt  }
0x65: {  	_ =	shalt  }
0x66: {  	_ =	shalt  }
0x67: {  	_ =	shalt  }
0x68: {  	_ =	shalt  }
0x69: {  	_ =	shalt  }
0x6a: {  	_ =	shalt  }
0x6b: {  	_ =	shalt  }
0x6c: {  	_ =	shalt  }
0x6d: {  	_ =	shalt  }
0x6e: {  	_ =	shalt  }
0x6f: {  	_ =	shalt  }
0x70: {  	_ =	shalt  }
0x71: {  	_ =	shalt  }
0x72: {  	_ =	shalt  }
0x73: {  	_ =	shalt  }
0x74: {  	_ =	shalt  }
0x75: {  	_ =	shalt  }
0x76: {  	_ =	shalt  }
0x77: {  	_ =	shalt  }
0x78: {  	_ =	shalt  }
0x79: {  	_ =	shalt  }
0x7a: {  	_ =	shalt  }
0x7b: {  	_ =	shalt  }
0x7c: {  	_ =	shalt  }
0x7d: {  	_ =	shalt  }
0x7e: {  	_ =	shalt  }
0x7f: {  	_ =	shalt  }
0x80: {  	_ =	shalt  }
0x81: {  	_ =	shalt  }
0x82: {  	_ =	shalt  }
0x83: {  	_ =	shalt  }
0x84: {  	_ =	shalt  }
0x85: {  	_ =	shalt  }
0x86: {  	_ =	shalt  }
0x87: {  	_ =	shalt  }
.Lfunc_end0:
.L_simem_size_0:
called_computation_lowered:
.L_overlay_start_0:
0x88: {  	s2 =	sld [smem:$0x3FD9]  }
0x89: {  	s3 =	sld [smem:$0x3FFE];
	_ =	sdelay $0x1  }
0x8a: {  	s1 =	srdreg.scid  }
0x8b: {  	s0 =	sand.u32 $0x1, s1  }
0x8c: {  	s16 =	sshll.u32 s0, $0xA;
	s2 =	sadd.s32 s3, s2  }
0x8d: {  	s2 =	sadd.s32 s2, s16  }
0x8e: {  	[smem:$0x3FC5] =	sst s2  }
0x8f: {  	_ = 	snop  }
0x90: {  	(tm) =	ssettm $0x1  }
0x91: {  	s17 =	sld [smem:$0x3FFB];
	_ =	sdelay $0x3  }
0x92: {  	_ =	strace s17  }
0x93: {  	s2 =	sld [smem:$0x3FFC];
	_ =	sdelay $0x3  }
0x94: {  	_ =	strace s2  }
0x95: {  	s2 =	sld [smem:$0x3FFD];
	_ =	sdelay $0x3  }
0x96: {  	_ =	strace s2  }
0x97: {  	_ =	strace $0x8FFFFFFF  }
0x98: {  	s18 =	sld [smem:$0x3FDB];
	_ =	sdelay $0x1  }
0x99: {  	s19 =	simm.s32 $_scs_section_size  }
0x9a: {  	s4 =	simm.s32 $_size__tile_overlayer_lowered;
	s5 =	simm.s32 $_tile_overlayer_lowered  }
0x9b: {  	s22 =	simm.s32 $0x1BFF;
	s21 =	sshll.u32 s5, $0x1;
	s2 =	sadd.s32 s19, s18  }
0x9c: {  	s6 =	simm.s32 $0x0;
	s20 =	sshll.u32 s4, $0x1;
	s4 =	sadd.s32 s21, s2  }
0x9d: {  	[timem:s6], [sflag:s22] =	dma.local [hbm:s4], s20  }
0x9e: {  	_ =	swait.ge [sflag:s22], s20  }
0x9f: {  	s3 =	ssub.s32 $0x0, s20;
	[sflag:s22] =	ssyncset.done $0x0  }
0xa0: {  	[sflag:s22] =	ssyncadd.s32 s3;
	_ =	sdelay $0x1  }
0xa1: {  	s23 =	simm.s32 $0x1B8B  }
0xa2: {  	_ =	swait.ge [sflag:s23], $0x1  }
0xa3: {  	[sflag:s23] =	ssyncset.done $0x0  }
0xa4: {  	s25 =	simm.s32 $0x1B8E;
	s24 =	sld [smem:$0x3FFE];
	[sflag:s23] =	ssyncadd.s32 $0xFFFFFFFF  }
0xa5: {  	s26 =	simm.s32 $execute0_lowered;
	[smem:$0x3FD2] =	sst s25  }
0xa6: {  	s4 =	sshll.u32 s26, $0x1;
	_ =	strace $0x80000046;
	[dreg:$0x1] =	wrdreg $0xFFFFFFFF  }
0xa7: {  	s28 =	simm.s32 $_size_execute0_lowered;
	s2 =	sadd.s32 s2, s4;
	[dreg:$0x0] =	wrdreg $0x0  }
0xa8: {  	s4 =	sshll.u32 s28, $0x1;
	[dreg:$0x2] =	wrdreg s2  }
0xa9: {  	[dreg:$0x3] =	wrdreg s4  }
0xaa: {  	[dreg:$0x4] =	wrdreg $0xC0  }
0xab: {  	_ =	task [dreg:s6], $0x5FFFF  }
0xac: {  	[dreg:$0x1] =	wrdreg $0xFFFFFFFF  }
0xad: {  	[dreg:$0x0] =	wrdreg $0x60  }
0xae: {  	[dreg:$0x2] =	wrdreg s24  }
0xaf: {  	[dreg:$0x3] =	wrdreg $0x9  }
0xb0: {  	_ =	task.clear_ibuf [dreg:s6], $0x4FFFF;
	_ =	strace $0x90000046  }
0xb1: {  	s29 =	simm.s32 $0x9;
	_ =	strace $0x80000048  }
0xb2: {  	_ =	swait.ge [sflag:s29], $0x1  }
0xb3: {  	[sflag:s29] =	ssyncadd.s32 $0xFFFFFFFF  }
0xb4: {  	_ =	strace $0x90000048  }
0xb5: {  	_ =	sfence  }
0xb6: {  	s30 =	sld [smem:$0x0];
	_ =	sdelay $0x2  }
0xb7: {  	s31 =	sshll.u32 s1, $0xD;
	s1 =	sshrl.u32 s1, $0x2  }
0xb8: {  	s3 =	sand.u32 $0x4000, s31;
	s1 =	sadd.s32 s1, s30  }
0xb9: {  	s0 =	sor.u32 s3, s0;
	s1 =	sshll.u32 s1, $0x11  }
0xba: {  	s0 =	sor.u32 s1, s0  }
0xbb: {  	s0 =	sadd.s32 $0x8F2B, s0  }
0xbc: {  	[sflag:s0] =	ssyncadd.remote.s32 $0x1  }
0xbd: {  	_ =	sfence.sel $0xFFFF  }
0xbe: {  	[dreg:$0x0] =	wrdreg $0xFFFFFFFF;
	(pc) =	sbr.abs _section_cstart, $3  }
0xbf: {  	[dreg:$0x1] =	wrdreg $0xFFFFFFFF  }
0xc0: {  	_ =	task.clear_ibuf [dreg:s6], $0x2FFFF;
	_ =	strace $0x9FFFFFFF  }
0xc1: {  	(tm) =	ssettm $0x7FFFFFFF  }
tec
execute0_lowered:
.L_overlay_start_1:
0x0: {  	(tag) =	ssettag $0x1  }
0x1: {  	s1 =	srdreg.scid;
	s0 =	stileid.u32  }
0x2: {  	s17 =	sand.u32 $0x1, s1;
	s31 =	sshll.u32 s0, $0x1  }
0x3: {  	s16 =	rddreg [dreg:$0x0];
	s18 =	sor.u32 s17, s31  }
0x4: {  	s2 =	simm.s32 $0x0;
	v0 =	vlaneseq.u32;
	s1 =	rddreg [dreg:$0x1];
	s3 =	sshll.u32 s18, $0x7  }
0x5: {  	[smem:$0x7FF] =	sst s2;
	v0 =	vmul.u32 $0x2, v0;
	s3 =	sadd.s32 s3, s16  }
0x6: {  	_ =	strace $0x80000047;
	s4 =	sadd.s32 $0x2400, s3;
	s3 =	simm.s32 $0x2  }
0x7: {  	[tilespmem:s2], [sflag:$0x2] =	stream.linear.gather [hbm4b:s4+s2], $0x400, $0x38;
	[tilespmem:$0x8600] =	vst v63  }
0x8: {  	_ =	swait.ge [sflag:s3], $0x400  }
0x9: {  	[sflag:s3] =	ssyncset.done $0x0  }
0xa: {  	[sflag:s3] =	ssyncadd.s32 $0xFFFFFC00  }
0xb: {  	v2 =	vld.idx.msk [tilespmem:v0+s2+$0x0], $0xffff  }
0xc: {  	v1 =	vor.u32 $0x20, v0;
	_ =	sdelay $0x3  }
0xd: {  	[tilespmem:$0x400] =	vst v2  }
0xe: {  	v3 =	vld.idx.msk [tilespmem:v1+s2+$0x0], $0xffff  }
0xf: {  	v2 =	vor.u32 $0x40, v0;
	_ =	sdelay $0x3  }
0x10: {  	[tilespmem:$0x410] =	vst v3  }
0x11: {  	v4 =	vld.idx.msk [tilespmem:v2+s2+$0x0], $0xffff  }
0x12: {  	v3 =	vor.u32 $0x60, v0;
	_ =	sdelay $0x3  }
0x13: {  	[tilespmem:$0x420] =	vst v4  }
0x14: {  	v5 =	vld.idx.msk [tilespmem:v3+s2+$0x0], $0xffff  }
0x15: {  	v4 =	vor.u32 $0x80, v0;
	_ =	sdelay $0x3  }
0x16: {  	[tilespmem:$0x430] =	vst v5  }
0x17: {  	v6 =	vld.idx.msk [tilespmem:v4+s2+$0x0], $0xffff  }
0x18: {  	v5 =	vor.u32 $0xA0, v0;
	_ =	sdelay $0x3  }
0x19: {  	[tilespmem:$0x440] =	vst v6  }
0x1a: {  	v7 =	vld.idx.msk [tilespmem:v5+s2+$0x0], $0xffff  }
0x1b: {  	v6 =	vor.u32 $0xC0, v0;
	_ =	sdelay $0x3  }
0x1c: {  	[tilespmem:$0x450] =	vst v7  }
0x1d: {  	v8 =	vld.idx.msk [tilespmem:v6+s2+$0x0], $0xffff  }
0x1e: {  	v7 =	vor.u32 $0xE0, v0;
	_ =	sdelay $0x3  }
0x1f: {  	[tilespmem:$0x460] =	vst v8  }
0x20: {  	v9 =	vld.idx.msk [tilespmem:v7+s2+$0x0], $0xffff  }
0x21: {  	v8 =	vor.u32 $0x100, v0;
	_ =	sdelay $0x3  }
0x22: {  	[tilespmem:$0x470] =	vst v9  }
0x23: {  	v10 =	vld.idx.msk [tilespmem:v8+s2+$0x0], $0xffff  }
0x24: {  	v9 =	vor.u32 $0x120, v0;
	_ =	sdelay $0x3  }
0x25: {  	[tilespmem:$0x480] =	vst v10  }
0x26: {  	v11 =	vld.idx.msk [tilespmem:v9+s2+$0x0], $0xffff  }
0x27: {  	v10 =	vor.u32 $0x140, v0;
	_ =	sdelay $0x3  }
0x28: {  	[tilespmem:$0x490] =	vst v11  }
0x29: {  	v12 =	vld.idx.msk [tilespmem:v10+s2+$0x0], $0xffff  }
0x2a: {  	v11 =	vor.u32 $0x160, v0;
	_ =	sdelay $0x3  }
0x2b: {  	[tilespmem:$0x4A0] =	vst v12  }
0x2c: {  	v13 =	vld.idx.msk [tilespmem:v11+s2+$0x0], $0xffff  }
0x2d: {  	v12 =	vor.u32 $0x180, v0;
	_ =	sdelay $0x3  }
0x2e: {  	[tilespmem:$0x4B0] =	vst v13  }
0x2f: {  	v14 =	vld.idx.msk [tilespmem:v12+s2+$0x0], $0xffff  }
0x30: {  	v13 =	vor.u32 $0x1A0, v0;
	_ =	sdelay $0x3  }
0x31: {  	[tilespmem:$0x4C0] =	vst v14  }
0x32: {  	v15 =	vld.idx.msk [tilespmem:v13+s2+$0x0], $0xffff  }
0x33: {  	v14 =	vor.u32 $0x1C0, v0;
	_ =	sdelay $0x3  }
0x34: {  	[tilespmem:$0x4D0] =	vst v15  }
0x35: {  	v16 =	vld.idx.msk [tilespmem:v14+s2+$0x0], $0xffff  }
0x36: {  	v15 =	vor.u32 $0x1E0, v0;
	_ =	sdelay $0x3  }
0x37: {  	[tilespmem:$0x4E0] =	vst v16  }
0x38: {  	v17 =	vld.idx.msk [tilespmem:v15+s2+$0x0], $0xffff  }
0x39: {  	v16 =	vor.u32 $0x200, v0;
	_ =	sdelay $0x3  }
0x3a: {  	[tilespmem:$0x4F0] =	vst v17  }
0x3b: {  	v18 =	vld.idx.msk [tilespmem:v16+s2+$0x0], $0xffff  }
0x3c: {  	v17 =	vor.u32 $0x220, v0;
	_ =	sdelay $0x3  }
0x3d: {  	[tilespmem:$0x500] =	vst v18  }
0x3e: {  	v19 =	vld.idx.msk [tilespmem:v17+s2+$0x0], $0xffff  }
0x3f: {  	v18 =	vor.u32 $0x240, v0;
	_ =	sdelay $0x3  }
0x40: {  	[tilespmem:$0x510] =	vst v19  }
0x41: {  	v20 =	vld.idx.msk [tilespmem:v18+s2+$0x0], $0xffff  }
0x42: {  	v19 =	vor.u32 $0x260, v0;
	_ =	sdelay $0x3  }
0x43: {  	[tilespmem:$0x520] =	vst v20  }
0x44: {  	v21 =	vld.idx.msk [tilespmem:v19+s2+$0x0], $0xffff  }
0x45: {  	v20 =	vor.u32 $0x280, v0;
	_ =	sdelay $0x3  }
0x46: {  	[tilespmem:$0x530] =	vst v21  }
0x47: {  	v22 =	vld.idx.msk [tilespmem:v20+s2+$0x0], $0xffff  }
0x48: {  	v21 =	vor.u32 $0x2A0, v0;
	_ =	sdelay $0x3  }
0x49: {  	[tilespmem:$0x540] =	vst v22  }
0x4a: {  	v23 =	vld.idx.msk [tilespmem:v21+s2+$0x0], $0xffff  }
0x4b: {  	v22 =	vor.u32 $0x2C0, v0;
	_ =	sdelay $0x3  }
0x4c: {  	[tilespmem:$0x550] =	vst v23  }
0x4d: {  	v24 =	vld.idx.msk [tilespmem:v22+s2+$0x0], $0xffff  }
0x4e: {  	v23 =	vor.u32 $0x2E0, v0;
	_ =	sdelay $0x3  }
0x4f: {  	[tilespmem:$0x560] =	vst v24  }
0x50: {  	v25 =	vld.idx.msk [tilespmem:v23+s2+$0x0], $0xffff  }
0x51: {  	v24 =	vor.u32 $0x300, v0;
	_ =	sdelay $0x3  }
0x52: {  	[tilespmem:$0x570] =	vst v25  }
0x53: {  	v26 =	vld.idx.msk [tilespmem:v24+s2+$0x0], $0xffff  }
0x54: {  	v25 =	vor.u32 $0x320, v0;
	_ =	sdelay $0x3  }
0x55: {  	[tilespmem:$0x580] =	vst v26  }
0x56: {  	v27 =	vld.idx.msk [tilespmem:v25+s2+$0x0], $0xffff  }
0x57: {  	v26 =	vor.u32 $0x340, v0;
	_ =	sdelay $0x3  }
0x58: {  	[tilespmem:$0x590] =	vst v27  }
0x59: {  	v28 =	vld.idx.msk [tilespmem:v26+s2+$0x0], $0xffff  }
0x5a: {  	v27 =	vor.u32 $0x360, v0;
	_ =	sdelay $0x3  }
0x5b: {  	[tilespmem:$0x5A0] =	vst v28  }
0x5c: {  	v29 =	vld.idx.msk [tilespmem:v27+s2+$0x0], $0xffff  }
0x5d: {  	v28 =	vor.u32 $0x380, v0;
	_ =	sdelay $0x3  }
0x5e: {  	[tilespmem:$0x5B0] =	vst v29  }
0x5f: {  	v30 =	vld.idx.msk [tilespmem:v28+s2+$0x0], $0xffff  }
0x60: {  	v29 =	vor.u32 $0x3A0, v0;
	_ =	sdelay $0x3  }
0x61: {  	[tilespmem:$0x5C0] =	vst v30  }
0x62: {  	v31 =	vld.idx.msk [tilespmem:v29+s2+$0x0], $0xffff  }
0x63: {  	v30 =	vor.u32 $0x3C0, v0;
	_ =	sdelay $0x3  }
0x64: {  	[tilespmem:$0x5D0] =	vst v31  }
0x65: {  	v32 =	vld.idx.msk [tilespmem:v30+s2+$0x0], $0xffff  }
0x66: {  	v31 =	vor.u32 $0x3E0, v0;
	_ =	sdelay $0x3  }
0x67: {  	[tilespmem:$0x5E0] =	vst v32  }
0x68: {  	v32 =	vld.idx.msk [tilespmem:v31+s2+$0x0], $0xffff;
	_ =	sdelay $0x3  }
0x69: {  	s6 =	simm.s32 $0x80  }
0x6a: {  	s7 =	simm.s32 $0x400;
	s8 =	simm.s32 $0x600;
	s5 =	sadd.s32 $0x189E00, s16;
	[tilespmem:$0x5F0] =	vst v32  }
0x6b: {  	[tilespmem:s8], [sflag:$0x1] =	stream.indirect.gather [hbm4b:s5+s6], $0x40, s7, s6, $0xb8;
	[tilespmem:$0x8600] =	vst v63  }
0x6c: {  	s9 =	simm.s32 $0x480;
	s10 =	simm.s32 $0x2600  }
0x6d: {  	[tilespmem:s10], [sflag:$0x1] =	stream.indirect.gather [hbm4b:s5+s6], $0x40, s9, s6, $0xb8;
	[tilespmem:$0x8600] =	vst v63  }
0x6e: {  	s11 =	simm.s32 $0x500;
	s12 =	simm.s32 $0x4600  }
0x6f: {  	[tilespmem:s12], [sflag:$0x1] =	stream.indirect.gather [hbm4b:s5+s6], $0x40, s11, s6, $0xb8;
	[tilespmem:$0x8600] =	vst v63  }
0x70: {  	s13 =	simm.s32 $0x580;
	s14 =	simm.s32 $0x6600;
	s15 =	simm.s32 $0x1  }
0x71: {  	[tilespmem:s14], [sflag:$0x1] =	stream.indirect.gather [hbm4b:s5+s6], $0x40, s13, s6, $0xb8;
	[tilespmem:$0x8600] =	vst v63  }
0x72: {  	_ =	swait.ge [sflag:s15], $0x2000  }
0x73: {  	[sflag:s15] =	ssyncset.done $0x0  }
0x74: {  	[sflag:s15] =	ssyncadd.s32 $0xFFFFE000  }
0x75: {  	_ =	swait.ge [sflag:s15], $0x2000  }
0x76: {  	[sflag:s15] =	ssyncset.done $0x0  }
0x77: {  	s17 =	ssub.s32 $0x2, s17;
	[sflag:s15] =	ssyncadd.s32 $0xFFFFE000  }
0x78: {  	s19 =	sshrl.u32 s17, $0x1;
	_ =	swait.ge [sflag:s15], $0x2000  }
0x79: {  	s17 =	ssub.s32 s17, s19;
	[sflag:s15] =	ssyncset.done $0x0  }
0x7a: {  	s17 =	smax.u32 s17, $0x1;
	[sflag:s15] =	ssyncadd.s32 $0xFFFFE000  }
0x7b: {  	s18 =	sshll.u32 s18, $0xC;
	p0 =	sne.s32 s17, $0x1;
	_ =	swait.ge [sflag:s15], $0x2000  }
.Ltmp0:
0x7c: {  	s16 =	sadd.s32 s18, s16;
	[sflag:s15] =	ssyncset.done $0x0;
	(pc) =	sbr.rel @!p0 .LBB2_2-.Ltmp0, $4  }
0x7d: {  	s16 =	sadd.s32 $0x3400, s16;
	[sflag:s15] =	ssyncadd.s32 $0xFFFFE000  }
0x7e: {  	[hbm4b:s16+s2] =	stream.linear.scatter [tilespmem:s8], [sflag:$0x2], $0x8000, $0x38;
	[tilespmem:$0x8600] =	vst v63  }
0x7f: {  	_ =	swait.ge [sflag:s3], $0x8000  }
0x80: {  	s17 =	sadd.s32 $0xFFFFFFFF, s17;
	[sflag:s3] =	ssyncset.done $0x0  }
.LBB2_1:
0x81: {  	p0 =	sne.s32 s17, $0x1;
	s17 =	sadd.s32 $0xFFFFFFFF, s17;
	[sflag:s3] =	ssyncadd.s32 $0xFFFF8000  }
0x82: {  	[tilespmem:s2], [sflag:$0x2] =	stream.linear.gather [hbm4b:s4+s2], $0x400, $0x38;
	[tilespmem:$0x8600] =	vst v63  }
0x83: {  	_ =	swait.ge [sflag:s3], $0x400  }
0x84: {  	[sflag:s3] =	ssyncset.done $0x0  }
0x85: {  	[sflag:s3] =	ssyncadd.s32 $0xFFFFFC00  }
0x86: {  	v32 =	vld.idx.msk [tilespmem:v0+s2+$0x0], $0xffff;
	_ =	sdelay $0x5  }
0x87: {  	[tilespmem:$0x400] =	vst v32  }
0x88: {  	v32 =	vld.idx.msk [tilespmem:v1+s2+$0x0], $0xffff;
	_ =	sdelay $0x5  }
0x89: {  	[tilespmem:$0x410] =	vst v32  }
0x8a: {  	v32 =	vld.idx.msk [tilespmem:v2+s2+$0x0], $0xffff;
	_ =	sdelay $0x5  }
0x8b: {  	[tilespmem:$0x420] =	vst v32  }
0x8c: {  	v32 =	vld.idx.msk [tilespmem:v3+s2+$0x0], $0xffff;
	_ =	sdelay $0x5  }
0x8d: {  	[tilespmem:$0x430] =	vst v32  }
0x8e: {  	v32 =	vld.idx.msk [tilespmem:v4+s2+$0x0], $0xffff;
	_ =	sdelay $0x5  }
0x8f: {  	[tilespmem:$0x440] =	vst v32  }
0x90: {  	v32 =	vld.idx.msk [tilespmem:v5+s2+$0x0], $0xffff;
	_ =	sdelay $0x5  }
0x91: {  	[tilespmem:$0x450] =	vst v32  }
0x92: {  	v32 =	vld.idx.msk [tilespmem:v6+s2+$0x0], $0xffff;
	_ =	sdelay $0x5  }
0x93: {  	[tilespmem:$0x460] =	vst v32  }
0x94: {  	v32 =	vld.idx.msk [tilespmem:v7+s2+$0x0], $0xffff;
	_ =	sdelay $0x5  }
0x95: {  	[tilespmem:$0x470] =	vst v32  }
0x96: {  	v32 =	vld.idx.msk [tilespmem:v8+s2+$0x0], $0xffff;
	_ =	sdelay $0x5  }
0x97: {  	[tilespmem:$0x480] =	vst v32  }
0x98: {  	v32 =	vld.idx.msk [tilespmem:v9+s2+$0x0], $0xffff;
	_ =	sdelay $0x5  }
0x99: {  	[tilespmem:$0x490] =	vst v32  }
0x9a: {  	v32 =	vld.idx.msk [tilespmem:v10+s2+$0x0], $0xffff;
	_ =	sdelay $0x5  }
0x9b: {  	[tilespmem:$0x4A0] =	vst v32  }
0x9c: {  	v32 =	vld.idx.msk [tilespmem:v11+s2+$0x0], $0xffff;
	_ =	sdelay $0x5  }
0x9d: {  	[tilespmem:$0x4B0] =	vst v32  }
0x9e: {  	v32 =	vld.idx.msk [tilespmem:v12+s2+$0x0], $0xffff;
	_ =	sdelay $0x5  }
0x9f: {  	[tilespmem:$0x4C0] =	vst v32  }
0xa0: {  	v32 =	vld.idx.msk [tilespmem:v13+s2+$0x0], $0xffff;
	_ =	sdelay $0x5  }
0xa1: {  	[tilespmem:$0x4D0] =	vst v32  }
0xa2: {  	v32 =	vld.idx.msk [tilespmem:v14+s2+$0x0], $0xffff;
	_ =	sdelay $0x5  }
0xa3: {  	[tilespmem:$0x4E0] =	vst v32  }
0xa4: {  	v32 =	vld.idx.msk [tilespmem:v15+s2+$0x0], $0xffff;
	_ =	sdelay $0x5  }
0xa5: {  	[tilespmem:$0x4F0] =	vst v32  }
0xa6: {  	v32 =	vld.idx.msk [tilespmem:v16+s2+$0x0], $0xffff;
	_ =	sdelay $0x5  }
0xa7: {  	[tilespmem:$0x500] =	vst v32  }
0xa8: {  	v32 =	vld.idx.msk [tilespmem:v17+s2+$0x0], $0xffff;
	_ =	sdelay $0x5  }
0xa9: {  	[tilespmem:$0x510] =	vst v32  }
0xaa: {  	v32 =	vld.idx.msk [tilespmem:v18+s2+$0x0], $0xffff;
	_ =	sdelay $0x5  }
0xab: {  	[tilespmem:$0x520] =	vst v32  }
0xac: {  	v32 =	vld.idx.msk [tilespmem:v19+s2+$0x0], $0xffff;
	_ =	sdelay $0x5  }
0xad: {  	[tilespmem:$0x530] =	vst v32  }
0xae: {  	v32 =	vld.idx.msk [tilespmem:v20+s2+$0x0], $0xffff;
	_ =	sdelay $0x5  }
0xaf: {  	[tilespmem:$0x540] =	vst v32  }
0xb0: {  	v32 =	vld.idx.msk [tilespmem:v21+s2+$0x0], $0xffff;
	_ =	sdelay $0x5  }
0xb1: {  	[tilespmem:$0x550] =	vst v32  }
0xb2: {  	v32 =	vld.idx.msk [tilespmem:v22+s2+$0x0], $0xffff;
	_ =	sdelay $0x5  }
0xb3: {  	[tilespmem:$0x560] =	vst v32  }
0xb4: {  	v32 =	vld.idx.msk [tilespmem:v23+s2+$0x0], $0xffff;
	_ =	sdelay $0x5  }
0xb5: {  	[tilespmem:$0x570] =	vst v32  }
0xb6: {  	v32 =	vld.idx.msk [tilespmem:v24+s2+$0x0], $0xffff;
	_ =	sdelay $0x5  }
0xb7: {  	[tilespmem:$0x580] =	vst v32  }
0xb8: {  	v32 =	vld.idx.msk [tilespmem:v25+s2+$0x0], $0xffff;
	_ =	sdelay $0x5  }
0xb9: {  	[tilespmem:$0x590] =	vst v32  }
0xba: {  	v32 =	vld.idx.msk [tilespmem:v26+s2+$0x0], $0xffff;
	_ =	sdelay $0x5  }
0xbb: {  	[tilespmem:$0x5A0] =	vst v32  }
0xbc: {  	v32 =	vld.idx.msk [tilespmem:v27+s2+$0x0], $0xffff;
	_ =	sdelay $0x5  }
0xbd: {  	[tilespmem:$0x5B0] =	vst v32  }
0xbe: {  	v32 =	vld.idx.msk [tilespmem:v28+s2+$0x0], $0xffff;
	_ =	sdelay $0x5  }
0xbf: {  	[tilespmem:$0x5C0] =	vst v32  }
0xc0: {  	v32 =	vld.idx.msk [tilespmem:v29+s2+$0x0], $0xffff;
	_ =	sdelay $0x5  }
0xc1: {  	[tilespmem:$0x5D0] =	vst v32  }
0xc2: {  	v32 =	vld.idx.msk [tilespmem:v30+s2+$0x0], $0xffff;
	_ =	sdelay $0x5  }
0xc3: {  	[tilespmem:$0x5E0] =	vst v32  }
0xc4: {  	v32 =	vld.idx.msk [tilespmem:v31+s2+$0x0], $0xffff;
	_ =	sdelay $0x5  }
0xc5: {  	[tilespmem:$0x5F0] =	vst v32  }
0xc6: {  	[tilespmem:s8], [sflag:$0x1] =	stream.indirect.gather [hbm4b:s5+s6], $0x40, s7, s6, $0xb8;
	[tilespmem:$0x8600] =	vst v63  }
0xc7: {  	_ = 	snop  }
0xc8: {  	[tilespmem:s10], [sflag:$0x1] =	stream.indirect.gather [hbm4b:s5+s6], $0x40, s9, s6, $0xb8;
	[tilespmem:$0x8600] =	vst v63  }
0xc9: {  	_ = 	snop  }
0xca: {  	[tilespmem:s12], [sflag:$0x1] =	stream.indirect.gather [hbm4b:s5+s6], $0x40, s11, s6, $0xb8;
	[tilespmem:$0x8600] =	vst v63  }
0xcb: {  	_ = 	snop  }
0xcc: {  	[tilespmem:s14], [sflag:$0x1] =	stream.indirect.gather [hbm4b:s5+s6], $0x40, s13, s6, $0xb8;
	[tilespmem:$0x8600] =	vst v63  }
0xcd: {  	_ =	swait.ge [sflag:s15], $0x2000  }
0xce: {  	[sflag:s15] =	ssyncset.done $0x0  }
0xcf: {  	[sflag:s15] =	ssyncadd.s32 $0xFFFFE000  }
0xd0: {  	_ =	swait.ge [sflag:s15], $0x2000  }
0xd1: {  	[sflag:s15] =	ssyncset.done $0x0  }
0xd2: {  	[sflag:s15] =	ssyncadd.s32 $0xFFFFE000  }
0xd3: {  	_ =	swait.ge [sflag:s15], $0x2000  }
0xd4: {  	[sflag:s15] =	ssyncset.done $0x0  }
0xd5: {  	[sflag:s15] =	ssyncadd.s32 $0xFFFFE000  }
0xd6: {  	_ =	swait.ge [sflag:s15], $0x2000  }
.Ltmp1:
0xd7: {  	[sflag:s15] =	ssyncset.done $0x0;
	(pc) =	sbr.rel @p0 .LBB2_1-.Ltmp1, $4  }
0xd8: {  	[sflag:s15] =	ssyncadd.s32 $0xFFFFE000  }
0xd9: {  	[hbm4b:s16+s2] =	stream.linear.scatter [tilespmem:s8], [sflag:$0x2], $0x8000, $0x38;
	[tilespmem:$0x8600] =	vst v63  }
0xda: {  	_ =	swait.ge [sflag:s3], $0x8000  }
0xdb: {  	[sflag:s3] =	ssyncset.done $0x0  }
.LBB2_2:
0xdc: {  	[sflag:s3] =	ssyncadd.s32 $0xFFFF8000  }
0xdd: {  	_ =	sfence.sel $0x180000  }
0xde: {  	[bflag:$0x0] =	sbarrier.arrive $0xFFFF  }
0xdf: {  	p0 =	sne.s32 s0, $0x0;
	_ =	strace $0x90000047  }
0xe0: {  	s0 =	sadd.s32 @!p0 $0x100000, s1;
	[bflag:$0x2] =	sbarrier.arrive $0xFFFF  }
0xe1: {  	[sflag:s0] =	ssyncadd.tile.s32 @!p0 $0x1;
	_ =	shalt  }
.Lfunc_end2:
_tile_overlayer_lowered:
.L_overlay_start_2:
0xe2: {  	(tag) =	ssettag $0x2  }
0xe3: {  	s0 =	rddreg [dreg:$0x0];
	s2 =	stileid.u32  }
0xe4: {  	s1 =	rddreg [dreg:$0x1];
	p0 =	sne.s32 s2, $0x0  }
0xe5: {  	s3 =	rddreg [dreg:$0x2];
	[bflag:$0x3] =	sbarrier.arrive $0xFFFF;
	s2 =	simm.s32 @!p0 $0x1C02  }
0xe6: {  	[timem:s3], [sflag:s2] =	dma.local @!p0 [hbm:s0], s1  }
0xe7: {  	s0 =	simm.s32 @!p0 $0x2  }
0xe8: {  	_ =	swait.ge @!p0 [sflag:s0], s1  }
0xe9: {  	s1 =	ssub.s32 @!p0 $0x0, s1;
	[sflag:s0] =	ssyncset.done @!p0 $0x0  }
0xea: {  	[sflag:s0] =	ssyncadd.s32 @!p0 s1  }
0xeb: {  	[bflag:$0x3] =	sbarrier.arrive $0xFFFF  }
0xec: {  	_ =	shalt  }

// kernel: kernel.7.cloned.1.call-start
scs
__scs_entry_jumppad:
0x0: {  	(pc) =	sbr.rel $0x88, $3  }
0x1: {  	(tag) =	ssettag $0x0;
	lr =	simm.s32 $0x1  }
0x2: {  	[smem:$0x3F9E] =	sst lr;
	_ =	strace $0xD0000000  }
0x3: {  	_ = 	snop  }
0x4: {  	_ = 	snop  }
0x5: {  	_ = 	snop  }
0x6: {  	_ = 	snop  }
0x7: {  	_ = 	snop  }
__scs_overlays_trampoline_lowered:
0x8: {  	[smem:$0x3FAD] =	sst s0  }
0x9: {  	[smem:$0x3FAE] =	sst s1  }
0xa: {  	[smem:$0x3FAF] =	sst s2  }
0xb: {  	[smem:$0x3FB0] =	sst s3  }
0xc: {  	[smem:$0x3FB1] =	sst s4  }
0xd: {  	[smem:$0x3FB2] =	sst s5  }
0xe: {  	[smem:$0x3FB3] =	sst s6  }
0xf: {  	[smem:$0x3FB4] =	sst s7  }
0x10: {  	[smem:$0x3FB5] =	sst s8  }
0x11: {  	[smem:$0x3FB6] =	sst s9;
	s0 =	simm.s32 @!p0 $0x0  }
0x12: {  	s1 =	sld [smem:$0x3F9C];
	s0 =	simm.s32 @p0 $0x1  }
0x13: {  	[smem:$0x3FB7] =	sst s0;
	s0 =	simm.s32 @!p1 $0x0  }
0x14: {  	s2 =	sld [smem:$0x3F9B];
	s0 =	simm.s32 @p1 $0x1  }
0x15: {  	[smem:$0x3FB8] =	sst s0;
	s0 =	simm.s32 @!p2 $0x0  }
0x16: {  	s3 =	sld [smem:$0x3FDB];
	s0 =	simm.s32 @p2 $0x1  }
0x17: {  	s4 =	simm.s32 $0x1BF5;
	[smem:$0x3FBA] =	sst s0  }
0x18: {  	s0 =	sld [smem:$0x3F9D];
	_ =	swait.ge [sflag:s4], $0x0  }
0x19: {  	s7 =	sld [smem:$0x3F9E]  }
0x1a: {  	s8 =	sadd.s32 $0xFFFFE003, lr  }
0x1b: {  	s9 =	sadd.s32 $0xFFFFFEF7, lr;
	s5 =	simm.s32 $0xFFFFFFFF;
	p2 =	slt.u32 s8, $0xFFFFF086  }
0x1c: {  	p1 =	slt.u32 s9, $0xF7A;
	s5 =	simm.s32 @!p2 $0x0  }
0x1d: {  	s5 =	simm.s32 @p1 $0x1;
	p0 =	seq.s32 s7, s2  }
0x1e: {  	s7 =	smul.u32 @!p0 $0xF7A, s2;
	p2 =	seq.s32 @!p0 s5, $0x0  }
0x1f: {  	s9 =	smul.u32 $0xF7A, s1;
	s8 =	simm.s32 @!p0 $0x1BF5;
	p2 =	por !p2, p0  }
0x20: {  	[sflag:s8] =	ssyncset.s32 @!p0 $0xFFFFF086;
	s6 =	sadd.s32 @!p0 s3, s7;
	s7 =	simm.s32 @!p0 $0x108  }
0x21: {  	s3 =	sadd.s32 s3, s9;
	s6 =	sadd.s32 @!p0 $0x88, s6;
	s7 =	simm.s32 @p2 $0x1082  }
0x22: {  	[simem:s7], [sflag:s8] =	dma.local @!p0 [hbm:s6], $0xF7A  }
0x23: {  	s9 =	sor.u32 $0xD0000000, s2;
	s6 =	simm.s32 $0x108;
	_ =	swait.ge @!p0 [sflag:s8], $0x0  }
0x24: {  	s3 =	sadd.s32 $0x88, s3;
	s6 =	simm.s32 @!p1 $0x1082;
	[sflag:s4] =	ssyncset.s32 $0xFFFFF086  }
0x25: {  	[simem:s6], [sflag:s4] =	dma.local [hbm:s3], $0xF7A  }
0x26: {  	[smem:$0x3F9E] =	sst s1;
	(tag) =	ssettag s2;
	_ =	strace s9  }
0x27: {  	s1 =	sld [smem:$0x3FAE]  }
0x28: {  	s2 =	sld [smem:$0x3FAF]  }
0x29: {  	s4 =	sld [smem:$0x3FB1]  }
0x2a: {  	p0 =	seq.s32 s5, $0x0;
	s5 =	sld [smem:$0x3FB2]  }
0x2b: {  	s6 =	sld [smem:$0x3FB3]  }
0x2c: {  	s7 =	sld [smem:$0x3FB4]  }
0x2d: {  	s3 =	simm.s32 $0x108;
	s8 =	sld [smem:$0x3FB5]  }
0x2e: {  	s3 =	simm.s32 @!p0 $0x1082;
	s9 =	sld [smem:$0x3FB6]  }
0x2f: {  	lr =	sadd.s32 s0, s3;
	s0 =	sld [smem:$0x3FAD]  }
0x30: {  	s3 =	sld [smem:$0x3FB0]  }
0x31: {  	[smem:$0x3FB9] =	sst s10  }
0x32: {  	s10 =	sld [smem:$0x3FB7];
	_ =	sdelay $0x3  }
0x33: {  	p0 =	seq.s32 s10, $0x1;
	s10 =	sld [smem:$0x3FB9];
	_ =	sdelay $0x3  }
0x34: {  	[smem:$0x3FB9] =	sst s10  }
0x35: {  	s10 =	sld [smem:$0x3FB8];
	_ =	sdelay $0x3  }
0x36: {  	p1 =	seq.s32 s10, $0x1;
	s10 =	sld [smem:$0x3FB9];
	_ =	sdelay $0x3  }
0x37: {  	[smem:$0x3FB9] =	sst s10  }
0x38: {  	s10 =	sld [smem:$0x3FBA]  }
0x39: {  	_ = 	snop;
	(pc) =	sbr.ind lr, $3  }
0x3a: {  	_ = 	snop  }
0x3b: {  	_ = 	snop  }
0x3c: {  	p2 =	seq.s32 s10, $0x1;
	s10 =	sld [smem:$0x3FB9]  }
0x3d: {  	_ =	shalt  }
0x3e: {  	_ =	shalt  }
0x3f: {  	_ =	shalt  }
0x40: {  	_ =	shalt  }
0x41: {  	_ =	shalt  }
0x42: {  	_ =	shalt  }
0x43: {  	_ =	shalt  }
0x44: {  	_ =	shalt  }
0x45: {  	_ =	shalt  }
0x46: {  	_ =	shalt  }
0x47: {  	_ =	shalt  }
0x48: {  	_ =	shalt  }
0x49: {  	_ =	shalt  }
0x4a: {  	_ =	shalt  }
0x4b: {  	_ =	shalt  }
0x4c: {  	_ =	shalt  }
0x4d: {  	_ =	shalt  }
0x4e: {  	_ =	shalt  }
0x4f: {  	_ =	shalt  }
0x50: {  	_ =	shalt  }
0x51: {  	_ =	shalt  }
0x52: {  	_ =	shalt  }
0x53: {  	_ =	shalt  }
0x54: {  	_ =	shalt  }
0x55: {  	_ =	shalt  }
0x56: {  	_ =	shalt  }
0x57: {  	_ =	shalt  }
0x58: {  	_ =	shalt  }
0x59: {  	_ =	shalt  }
0x5a: {  	_ =	shalt  }
0x5b: {  	_ =	shalt  }
0x5c: {  	_ =	shalt  }
0x5d: {  	_ =	shalt  }
0x5e: {  	_ =	shalt  }
0x5f: {  	_ =	shalt  }
0x60: {  	_ =	shalt  }
0x61: {  	_ =	shalt  }
0x62: {  	_ =	shalt  }
0x63: {  	_ =	shalt  }
0x64: {  	_ =	shalt  }
0x65: {  	_ =	shalt  }
0x66: {  	_ =	shalt  }
0x67: {  	_ =	shalt  }
0x68: {  	_ =	shalt  }
0x69: {  	_ =	shalt  }
0x6a: {  	_ =	shalt  }
0x6b: {  	_ =	shalt  }
0x6c: {  	_ =	shalt  }
0x6d: {  	_ =	shalt  }
0x6e: {  	_ =	shalt  }
0x6f: {  	_ =	shalt  }
0x70: {  	_ =	shalt  }
0x71: {  	_ =	shalt  }
0x72: {  	_ =	shalt  }
0x73: {  	_ =	shalt  }
0x74: {  	_ =	shalt  }
0x75: {  	_ =	shalt  }
0x76: {  	_ =	shalt  }
0x77: {  	_ =	shalt  }
0x78: {  	_ =	shalt  }
0x79: {  	_ =	shalt  }
0x7a: {  	_ =	shalt  }
0x7b: {  	_ =	shalt  }
0x7c: {  	_ =	shalt  }
0x7d: {  	_ =	shalt  }
0x7e: {  	_ =	shalt  }
0x7f: {  	_ =	shalt  }
0x80: {  	_ =	shalt  }
0x81: {  	_ =	shalt  }
0x82: {  	_ =	shalt  }
0x83: {  	_ =	shalt  }
0x84: {  	_ =	shalt  }
0x85: {  	_ =	shalt  }
0x86: {  	_ =	shalt  }
0x87: {  	_ =	shalt  }
.Lfunc_end0:
.L_simem_size_0:
called_computation.1_lowered:
.L_overlay_start_0:
0x88: {  	s2 =	sld [smem:$0x3FD9]  }
0x89: {  	s3 =	sld [smem:$0x3FFE];
	_ =	sdelay $0x1  }
0x8a: {  	s1 =	srdreg.scid  }
0x8b: {  	s0 =	sand.u32 $0x1, s1  }
0x8c: {  	s17 =	sshll.u32 s0, $0xA;
	s2 =	sadd.s32 s3, s2  }
0x8d: {  	s2 =	sadd.s32 s2, s17  }
0x8e: {  	[smem:$0x3FC5] =	sst s2  }
0x8f: {  	_ = 	snop  }
0x90: {  	s2 =	sld [smem:$0x3FD0];
	(tm) =	ssettm $0x1  }
0x91: {  	s18 =	sld [smem:$0x3FFB];
	_ =	sdelay $0x3  }
0x92: {  	_ =	strace s18  }
0x93: {  	s3 =	sld [smem:$0x3FFC];
	_ =	sdelay $0x3  }
0x94: {  	_ =	strace s3  }
0x95: {  	s3 =	sld [smem:$0x3FFD];
	_ =	sdelay $0x3  }
0x96: {  	_ =	strace s3  }
0x97: {  	_ =	strace $0x8FFFFFFF  }
0x98: {  	s19 =	sld [smem:$0x3FDB];
	_ =	sdelay $0x1  }
0x99: {  	s4 =	simm.s32 $_scs_section_size  }
0x9a: {  	s5 =	simm.s32 $_size__tile_overlayer_lowered;
	s6 =	simm.s32 $_tile_overlayer_lowered  }
0x9b: {  	s22 =	simm.s32 $0x1BFF;
	s21 =	sshll.u32 s6, $0x1;
	s3 =	sadd.s32 s4, s19  }
0x9c: {  	s7 =	simm.s32 $0x0;
	s20 =	sshll.u32 s5, $0x1;
	s5 =	sadd.s32 s21, s3  }
0x9d: {  	[timem:s7], [sflag:s22] =	dma.local [hbm:s5], s20  }
0x9e: {  	_ =	swait.ge [sflag:s22], s20  }
0x9f: {  	s4 =	ssub.s32 $0x0, s20;
	[sflag:s22] =	ssyncset.done $0x0  }
0xa0: {  	[sflag:s22] =	ssyncadd.s32 s4;
	_ =	sdelay $0x1  }
0xa1: {  	s23 =	simm.s32 $0x1B8B  }
0xa2: {  	_ =	swait.ge [sflag:s23], $0x1  }
0xa3: {  	[sflag:s23] =	ssyncset.done $0x0  }
0xa4: {  	s25 =	simm.s32 $0x1B8E;
	s24 =	sld [smem:$0x3FFE];
	[sflag:s23] =	ssyncadd.s32 $0xFFFFFFFF  }
0xa5: {  	s26 =	simm.s32 $execute0_lowered;
	[smem:$0x3FD2] =	sst s25  }
0xa6: {  	s5 =	sshll.u32 s26, $0x1;
	_ =	strace $0x80000049;
	[dreg:$0x1] =	wrdreg $0xFFFFFFFF  }
0xa7: {  	s28 =	simm.s32 $_size_execute0_lowered;
	s3 =	sadd.s32 s3, s5;
	[dreg:$0x0] =	wrdreg $0x0  }
0xa8: {  	s5 =	sshll.u32 s28, $0x1;
	[dreg:$0x2] =	wrdreg s3  }
0xa9: {  	[dreg:$0x3] =	wrdreg s5  }
0xaa: {  	[dreg:$0x4] =	wrdreg $0xC0  }
0xab: {  	_ =	task [dreg:s7], $0x5FFFF  }
0xac: {  	[dreg:$0x1] =	wrdreg $0xFFFFFFFF  }
0xad: {  	[dreg:$0x0] =	wrdreg $0x60  }
0xae: {  	[dreg:$0x2] =	wrdreg s24  }
0xaf: {  	[dreg:$0x3] =	wrdreg s2  }
0xb0: {  	[dreg:$0x4] =	wrdreg $0x9  }
0xb1: {  	_ =	task.clear_ibuf [dreg:s7], $0x5FFFF;
	_ =	strace $0x90000049  }
0xb2: {  	s29 =	simm.s32 $0x9;
	_ =	strace $0x8000004B  }
0xb3: {  	_ =	swait.ge [sflag:s29], $0x1  }
0xb4: {  	[sflag:s29] =	ssyncadd.s32 $0xFFFFFFFF  }
0xb5: {  	_ =	strace $0x9000004B  }
0xb6: {  	_ =	sfence  }
0xb7: {  	s30 =	sld [smem:$0x0];
	_ =	sdelay $0x2  }
0xb8: {  	s31 =	sshll.u32 s1, $0xD;
	s1 =	sshrl.u32 s1, $0x2  }
0xb9: {  	s3 =	sand.u32 $0x4000, s31;
	s1 =	sadd.s32 s1, s30  }
0xba: {  	s0 =	sor.u32 s3, s0;
	s1 =	sshll.u32 s1, $0x11  }
0xbb: {  	s0 =	sor.u32 s1, s0  }
0xbc: {  	s0 =	sadd.s32 $0x8F2B, s0  }
0xbd: {  	[sflag:s0] =	ssyncadd.remote.s32 $0x1  }
0xbe: {  	_ =	sfence.sel $0xFFFF  }
0xbf: {  	[dreg:$0x0] =	wrdreg $0xFFFFFFFF;
	(pc) =	sbr.abs _section_cstart, $3  }
0xc0: {  	[dreg:$0x1] =	wrdreg $0xFFFFFFFF  }
0xc1: {  	_ =	task.clear_ibuf [dreg:s7], $0x2FFFF;
	_ =	strace $0x9FFFFFFF  }
0xc2: {  	(tm) =	ssettm $0x7FFFFFFF  }
0xc3: {  	_ =	shalt  }
tec
execute0_lowered:
.L_overlay_start_1:
0x0: {  	(tag) =	ssettag $0x1  }
0x1: {  	s4 =	rddreg [dreg:$0x0]  }
0x2: {  	s6 =	rddreg [dreg:$0x1];
	v0 =	vlaneseq.u32  }
0x3: {  	s0 =	rddreg [dreg:$0x2];
	v31 =	vmul.u32 $0x2, v0  }
0x4: {  	s3 =	srdreg.scid;
	s1 =	stileid.u32;
	s2 =	simm.s32 $0x0  }
0x5: {  	s10 =	simm.s32 $0x80;
	s11 =	simm.s32 $0x400;
	s12 =	simm.s32 $0x8600;
	vm0 =	vcmask $0x3F3C;
	v0 =	vor.u32 $0x1, v31;
	v1 =	vor.u32 $0x21, v31  }
0x6: {  	s13 =	simm.s32 $0x480;
	s14 =	simm.s32 $0xA600;
	s15 =	simm.s32 $0x500;
	v2 =	vor.u32 $0x41, v31;
	v3 =	vor.u32 $0x61, v31;
	v4 =	vor.u32 $0x81, v31  }
0x7: {  	s16 =	simm.s32 $0xC600;
	s17 =	simm.s32 $0x580;
	s18 =	simm.s32 $0xE600;
	v5 =	vor.u32 $0xA1, v31;
	v6 =	vor.u32 $0xC1, v31;
	v7 =	vor.u32 $0xE1, v31  }
0x8: {  	s19 =	simm.s32 $0x2;
	s20 =	simm.s32 $0x1;
	s21 =	simm.s32 $0x10600;
	v8 =	vor.u32 $0x101, v31;
	v9 =	vor.u32 $0x121, v31;
	v10 =	vor.u32 $0x141, v31  }
0x9: {  	s3 =	sand.u32 $0x1, s3;
	s5 =	sshll.u32 s1, $0x1;
	[smem:$0x7FF] =	sst s2;
	v11 =	vor.u32 $0x161, v31;
	v12 =	vor.u32 $0x181, v31;
	v13 =	vor.u32 $0x1A1, v31  }
0xa: {  	s22 =	simm.s32 $0x0;
	s5 =	sor.u32 s3, s5;
	_ =	strace $0x8000004A;
	v14 =	vor.u32 $0x1C1, v31;
	v15 =	vor.u32 $0x1E1, v31;
	v16 =	vor.u32 $0x201, v31  }
0xb: {  	s9 =	ssub.s32 $0x2, s3;
	s3 =	sadd.s32 $0x23400, s4;
	s7 =	sshll.u32 s5, $0x7;
	v17 =	vor.u32 $0x221, v31;
	v18 =	vor.u32 $0x241, v31;
	v19 =	vor.u32 $0x261, v31  }
0xc: {  	s8 =	sshll.u32 s5, $0xC;
	s30 =	sshrl.u32 s9, $0x1;
	s31 =	sshll.u32 s5, $0x6;
	v20 =	vor.u32 $0x281, v31;
	v21 =	vor.u32 $0x2A1, v31;
	v22 =	vor.u32 $0x2C1, v31  }
0xd: {  	v23 =	vor.u32 $0x2E1, v31;
	v24 =	vor.u32 $0x301, v31;
	v25 =	vor.u32 $0x321, v31;
	s7 =	sadd.s32 s7, s4;
	s4 =	sadd.s32 s8, s4;
	s8 =	ssub.s32 s9, s30  }
0xe: {  	v26 =	vor.u32 $0x341, v31;
	v27 =	vor.u32 $0x361, v31;
	v28 =	vor.u32 $0x381, v31;
	s6 =	sadd.s32 s6, s31;
	s9 =	simm.s32 $0x3;
	s4 =	sadd.s32 $0x3400, s4  }
0xf: {  	v29 =	vor.u32 $0x3A1, v31;
	v30 =	vor.u32 $0x3C1, v31;
	v31 =	vor.u32 $0x3E1, v31;
	s5 =	sadd.s32 $0x2400, s7;
	s7 =	smax.u32 s8, $0x1;
	s8 =	simm.s32 $0x600  }
.LBB2_1:
0x10: {  	[tilespmem:s8], [sflag:$0x2] =	stream.linear.gather [hbm4b:s4+s2], $0x8000, $0x38;
	[tilespmem:$0x10800] =	vst v63  }
0x11: {  	_ = 	snop  }
0x12: {  	[tilespmem:s2], [sflag:$0x3] =	stream.linear.gather [hbm4b:s5+s2], $0x400, $0x38;
	[tilespmem:$0x10800] =	vst v63  }
0x13: {  	_ =	swait.ge [sflag:s9], $0x400  }
0x14: {  	[sflag:s9] =	ssyncset.done $0x0  }
0x15: {  	[sflag:s9] =	ssyncadd.s32 $0xFFFFFC00  }
0x16: {  	v32 =	vld.idx.msk [tilespmem:v0+s2+$0x0], $0xffff;
	_ =	sdelay $0x4  }
0x17: {  	[tilespmem:$0x400] =	vst v32  }
0x18: {  	v32 =	vld.idx.msk [tilespmem:v1+s2+$0x0], $0xffff;
	_ =	sdelay $0x4  }
0x19: {  	[tilespmem:$0x410] =	vst v32  }
0x1a: {  	v32 =	vld.idx.msk [tilespmem:v2+s2+$0x0], $0xffff;
	_ =	sdelay $0x4  }
0x1b: {  	[tilespmem:$0x420] =	vst v32  }
0x1c: {  	v32 =	vld.idx.msk [tilespmem:v3+s2+$0x0], $0xffff;
	_ =	sdelay $0x4  }
0x1d: {  	[tilespmem:$0x430] =	vst v32  }
0x1e: {  	v32 =	vld.idx.msk [tilespmem:v4+s2+$0x0], $0xffff;
	_ =	sdelay $0x4  }
0x1f: {  	[tilespmem:$0x440] =	vst v32  }
0x20: {  	v32 =	vld.idx.msk [tilespmem:v5+s2+$0x0], $0xffff;
	_ =	sdelay $0x4  }
0x21: {  	[tilespmem:$0x450] =	vst v32  }
0x22: {  	v32 =	vld.idx.msk [tilespmem:v6+s2+$0x0], $0xffff;
	_ =	sdelay $0x4  }
0x23: {  	[tilespmem:$0x460] =	vst v32  }
0x24: {  	v32 =	vld.idx.msk [tilespmem:v7+s2+$0x0], $0xffff;
	_ =	sdelay $0x4  }
0x25: {  	[tilespmem:$0x470] =	vst v32  }
0x26: {  	v32 =	vld.idx.msk [tilespmem:v8+s2+$0x0], $0xffff;
	_ =	sdelay $0x4  }
0x27: {  	[tilespmem:$0x480] =	vst v32  }
0x28: {  	v32 =	vld.idx.msk [tilespmem:v9+s2+$0x0], $0xffff;
	_ =	sdelay $0x4  }
0x29: {  	[tilespmem:$0x490] =	vst v32  }
0x2a: {  	v32 =	vld.idx.msk [tilespmem:v10+s2+$0x0], $0xffff;
	_ =	sdelay $0x4  }
0x2b: {  	[tilespmem:$0x4A0] =	vst v32  }
0x2c: {  	v32 =	vld.idx.msk [tilespmem:v11+s2+$0x0], $0xffff;
	_ =	sdelay $0x4  }
0x2d: {  	[tilespmem:$0x4B0] =	vst v32  }
0x2e: {  	v32 =	vld.idx.msk [tilespmem:v12+s2+$0x0], $0xffff;
	_ =	sdelay $0x4  }
0x2f: {  	[tilespmem:$0x4C0] =	vst v32  }
0x30: {  	v32 =	vld.idx.msk [tilespmem:v13+s2+$0x0], $0xffff;
	_ =	sdelay $0x4  }
0x31: {  	[tilespmem:$0x4D0] =	vst v32  }
0x32: {  	v32 =	vld.idx.msk [tilespmem:v14+s2+$0x0], $0xffff;
	_ =	sdelay $0x4  }
0x33: {  	[tilespmem:$0x4E0] =	vst v32  }
0x34: {  	v32 =	vld.idx.msk [tilespmem:v15+s2+$0x0], $0xffff;
	_ =	sdelay $0x4  }
0x35: {  	[tilespmem:$0x4F0] =	vst v32  }
0x36: {  	v32 =	vld.idx.msk [tilespmem:v16+s2+$0x0], $0xffff;
	_ =	sdelay $0x4  }
0x37: {  	[tilespmem:$0x500] =	vst v32  }
0x38: {  	v32 =	vld.idx.msk [tilespmem:v17+s2+$0x0], $0xffff;
	_ =	sdelay $0x4  }
0x39: {  	[tilespmem:$0x510] =	vst v32  }
0x3a: {  	v32 =	vld.idx.msk [tilespmem:v18+s2+$0x0], $0xffff;
	_ =	sdelay $0x4  }
0x3b: {  	[tilespmem:$0x520] =	vst v32  }
0x3c: {  	v32 =	vld.idx.msk [tilespmem:v19+s2+$0x0], $0xffff;
	_ =	sdelay $0x4  }
0x3d: {  	[tilespmem:$0x530] =	vst v32  }
0x3e: {  	v32 =	vld.idx.msk [tilespmem:v20+s2+$0x0], $0xffff;
	_ =	sdelay $0x4  }
0x3f: {  	[tilespmem:$0x540] =	vst v32  }
0x40: {  	v32 =	vld.idx.msk [tilespmem:v21+s2+$0x0], $0xffff;
	_ =	sdelay $0x4  }
0x41: {  	[tilespmem:$0x550] =	vst v32  }
0x42: {  	v32 =	vld.idx.msk [tilespmem:v22+s2+$0x0], $0xffff;
	_ =	sdelay $0x4  }
0x43: {  	[tilespmem:$0x560] =	vst v32  }
0x44: {  	v32 =	vld.idx.msk [tilespmem:v23+s2+$0x0], $0xffff;
	_ =	sdelay $0x4  }
0x45: {  	[tilespmem:$0x570] =	vst v32  }
0x46: {  	v32 =	vld.idx.msk [tilespmem:v24+s2+$0x0], $0xffff;
	_ =	sdelay $0x4  }
0x47: {  	[tilespmem:$0x580] =	vst v32  }
0x48: {  	v32 =	vld.idx.msk [tilespmem:v25+s2+$0x0], $0xffff;
	_ =	sdelay $0x4  }
0x49: {  	[tilespmem:$0x590] =	vst v32  }
0x4a: {  	v32 =	vld.idx.msk [tilespmem:v26+s2+$0x0], $0xffff;
	_ =	sdelay $0x4  }
0x4b: {  	[tilespmem:$0x5A0] =	vst v32  }
0x4c: {  	v32 =	vld.idx.msk [tilespmem:v27+s2+$0x0], $0xffff;
	_ =	sdelay $0x4  }
0x4d: {  	[tilespmem:$0x5B0] =	vst v32  }
0x4e: {  	v32 =	vld.idx.msk [tilespmem:v28+s2+$0x0], $0xffff;
	_ =	sdelay $0x4  }
0x4f: {  	[tilespmem:$0x5C0] =	vst v32  }
0x50: {  	v32 =	vld.idx.msk [tilespmem:v29+s2+$0x0], $0xffff;
	_ =	sdelay $0x4  }
0x51: {  	[tilespmem:$0x5D0] =	vst v32  }
0x52: {  	v32 =	vld.idx.msk [tilespmem:v30+s2+$0x0], $0xffff;
	_ =	sdelay $0x4  }
0x53: {  	[tilespmem:$0x5E0] =	vst v32  }
0x54: {  	v32 =	vld.idx.msk [tilespmem:v31+s2+$0x0], $0xffff;
	_ =	sdelay $0x4  }
0x55: {  	[tilespmem:$0x5F0] =	vst v32  }
0x56: {  	[tilespmem:s12], [sflag:$0x1] =	stream.indirect.gather [hbm4b:s3+s10], $0x40, s11, s10, $0xb8;
	[tilespmem:$0x10800] =	vst v63  }
0x57: {  	_ = 	snop  }
0x58: {  	[tilespmem:s14], [sflag:$0x1] =	stream.indirect.gather [hbm4b:s3+s10], $0x40, s13, s10, $0xb8;
	[tilespmem:$0x10800] =	vst v63  }
0x59: {  	_ = 	snop  }
0x5a: {  	[tilespmem:s16], [sflag:$0x1] =	stream.indirect.gather [hbm4b:s3+s10], $0x40, s15, s10, $0xb8;
	[tilespmem:$0x10800] =	vst v63  }
0x5b: {  	_ = 	snop  }
0x5c: {  	[tilespmem:s18], [sflag:$0x1] =	stream.indirect.gather [hbm4b:s3+s10], $0x40, s17, s10, $0xb8;
	[tilespmem:$0x10800] =	vst v63  }
0x5d: {  	_ =	swait.ge [sflag:s19], $0x8000  }
0x5e: {  	[sflag:s19] =	ssyncset.done $0x0  }
0x5f: {  	[sflag:s19] =	ssyncadd.s32 $0xFFFF8000  }
0x60: {  	_ =	swait.ge [sflag:s20], $0x2000  }
0x61: {  	[sflag:s20] =	ssyncset.done $0x0  }
0x62: {  	[sflag:s20] =	ssyncadd.s32 $0xFFFFE000  }
0x63: {  	_ =	swait.ge [sflag:s20], $0x2000  }
0x64: {  	[sflag:s20] =	ssyncset.done $0x0  }
0x65: {  	[sflag:s20] =	ssyncadd.s32 $0xFFFFE000  }
0x66: {  	_ =	swait.ge [sflag:s20], $0x2000  }
0x67: {  	[sflag:s20] =	ssyncset.done $0x0  }
0x68: {  	[sflag:s20] =	ssyncadd.s32 $0xFFFFE000  }
0x69: {  	_ =	swait.ge [sflag:s20], $0x2000  }
0x6a: {  	[sflag:s20] =	ssyncset.done $0x0  }
0x6b: {  	s24 =	simm.s32 $0x8620;
	[sflag:s20] =	ssyncadd.s32 $0xFFFFE000  }
0x6c: {  	s25 =	simm.s32 $0x620;
	v32 =	vld [tilespmem:s24+$0xFFFFFFE0]  }
0x6d: {  	v33 =	vld [tilespmem:s25+$0xFFFFFFE0]  }
0x6e: {  	v34 =	vld [tilespmem:s25+$0xFFFFFFF0]  }
0x6f: {  	s26 =	simm.s32 $0x1;
	s23 =	simm.s32 $0x0;
	v35 =	vld [tilespmem:s24+$0xFFFFFFF0]  }
.LBB2_2:
0x70: {  	p0 =	sne.s32 s26, $0x1FF;
	v36 =	vld [tilespmem:s25+$0x0]  }
0x71: {  	v37 =	vld [tilespmem:s24+$0x0]  }
0x72: {  	v38 =	vld [tilespmem:s25+$0x10]  }
0x73: {  	v39 =	vld [tilespmem:s24+$0x10]  }
0x74: {  	v32 =	vmul.f32 v32, v33;
	v33 =	vmul.f32 v35, v34;
	_ =	sdelay $0x1  }
0x75: {  	v32 =	vadd.f32 v33, v32;
	v33 =	vmul.f32 v37, v36;
	_ =	sdelay $0x1  }
0x76: {  	v32 =	vadd.f32 v33, v32;
	v33 =	vmul.f32 v39, v38;
	_ =	sdelay $0x1  }
0x77: {  	v32 =	vadd.f32 v33, v32;
	_ =	sdelay $0x1  }
0x78: {  	(xrf2) =	vadd.scan.msk.f32 $0xffff, v32;
	_ =	sdelay $0x5  }
0x79: {  	v32 =	vmov s23;
	s23 =	smov.u32 s26;
	_ =	sdelay $0x3  }
0x7a: {  	v33, _, _ =	vpop (xrf2)  }
.Ltmp0:
0x7b: {  	s24 =	sadd.s32 $0x40, s24;
	[tilespmem:v32+s21+$0x0] =	vst.idx.msk vm0, v33;
	(pc) =	sbr.rel @p0 .LBB2_2-.Ltmp0, $4  }
0x7c: {  	s25 =	sadd.s32 $0x40, s25;
	v32 =	vld [tilespmem:s24+$0xFFFFFFE0]  }
0x7d: {  	v33 =	vld [tilespmem:s25+$0xFFFFFFE0]  }
0x7e: {  	v34 =	vld [tilespmem:s25+$0xFFFFFFF0]  }
0x7f: {  	s26 =	sadd.s32 $0x1, s26;
	v35 =	vld [tilespmem:s24+$0xFFFFFFF0]  }
0x80: {  	v36 =	vld [tilespmem:s25+$0x0]  }
0x81: {  	v37 =	vld [tilespmem:s24+$0x0]  }
0x82: {  	v38 =	vld [tilespmem:s25+$0x10]  }
0x83: {  	v39 =	vld [tilespmem:s24+$0x10]  }
0x84: {  	v32 =	vmul.f32 v32, v33;
	v59 =	vmul.f32 v35, v34;
	_ =	sdelay $0x1  }
0x85: {  	v60 =	vmul.f32 v37, v36;
	v32 =	vadd.f32 v59, v32;
	_ =	sdelay $0x1  }
0x86: {  	v61 =	vmul.f32 v39, v38;
	v32 =	vadd.f32 v60, v32;
	_ =	sdelay $0x1  }
0x87: {  	v32 =	vadd.f32 v61, v32;
	_ =	sdelay $0x1  }
0x88: {  	(xrf2) =	vadd.scan.msk.f32 $0xffff, v32;
	_ =	sdelay $0x5  }
0x89: {  	v62 =	vmov s23;
	_ =	sdelay $0x2  }
0x8a: {  	s22 =	sadd.s32 $0x1, s22  }
0x8b: {  	p0 =	sne.s32 s22, s7;
	v63, _, _ =	vpop (xrf2)  }
.Ltmp1:
0x8c: {  	[tilespmem:v62+s21+$0x0] =	vst.idx.msk vm0, v63;
	(pc) =	sbr.rel @p0 .LBB2_1-.Ltmp1, $4  }
0x8d: {  	[hbm4b:s6+s2] =	stream.linear.scatter [tilespmem:s21], [sflag:$0x3], $0x200, $0x38;
	[tilespmem:$0x10800] =	vst v63  }
0x8e: {  	_ =	swait.ge [sflag:s9], $0x200  }
0x8f: {  	[sflag:s9] =	ssyncset.done $0x0  }
0x90: {  	[sflag:s9] =	ssyncadd.s32 $0xFFFFFE00  }
0x91: {  	_ =	sfence.sel $0x180000  }
0x92: {  	[bflag:$0x0] =	sbarrier.arrive $0xFFFF  }
0x93: {  	p0 =	sne.s32 s1, $0x0;
	_ =	strace $0x9000004A  }
0x94: {  	s0 =	sadd.s32 @!p0 $0x100000, s0;
	[bflag:$0x2] =	sbarrier.arrive $0xFFFF  }
0x95: {  	[sflag:s0] =	ssyncadd.tile.s32 @!p0 $0x1;
	_ =	shalt  }
.Lfunc_end2:
_tile_overlayer_lowered:
.L_overlay_start_2:
0x96: {  	(tag) =	ssettag $0x2  }
0x97: {  	s0 =	rddreg [dreg:$0x0];
	s2 =	stileid.u32  }
0x98: {  	s1 =	rddreg [dreg:$0x1];
	p0 =	sne.s32 s2, $0x0  }
0x99: {  	s3 =	rddreg [dreg:$0x2];
	[bflag:$0x3] =	sbarrier.arrive $0xFFFF;
	s2 =	simm.s32 @!p0 $0x1C03  }
0x9a: {  	[timem:s3], [sflag:s2] =	dma.local @!p0 [hbm:s0], s1  }
0x9b: {  	s0 =	simm.s32 @!p0 $0x3  }
0x9c: {  	_ =	swait.ge @!p0 [sflag:s0], s1  }
0x9d: {  	s1 =	ssub.s32 @!p0 $0x0, s1;
	[sflag:s0] =	ssyncset.done @!p0 $0x0  }
0x9e: {  	[sflag:s0] =	ssyncadd.s32 @!p0 s1  }
0x9f: {  	[bflag:$0x3] =	sbarrier.arrive $0xFFFF  }
0xa0: {  	_ =	shalt  }

</sc_bundles>
